<compile_context>
chip_gen: v7x
topology: tpu7x:2x2x1
jax: 0.10.2.dev20260603
libtpu: 0.0.44.dev20260713+nightly
codegen_flags: <defaults>
</compile_context>

<pallas_src>
import functools

import jax
import jax.numpy as jnp
from jax import lax
from jax.experimental import pallas as pl
from jax.experimental.pallas import tpu as pltpu
from jax.experimental.pallas import tpu_sc as plsc

_NC = 2
_NS = 16


def _chunk_schedule(rows, ch):
    out = []
    left = rows
    while left > 0:
        c = min(ch, left)
        out.append(c)
        left -= c
    return out


def _pipelined_copy(w_hbm, out_hbm, bufs, lsem, ssem, base, chunks, B):
    if not chunks:
        return
    starts = [sum(chunks[:i]) for i in range(len(chunks))]
    n = len(chunks)
    loads = [None] * n
    pending = [[], []]
    loads[0] = pltpu.async_copy(
        w_hbm.at[pl.ds(base, chunks[0])],
        bufs[0].at[pl.ds(0, chunks[0])], lsem)
    for i in range(n):
        nxt = (i + 1) % 2
        if i + 1 < n:
            for st in pending[nxt]:
                st.wait()
            pending[nxt] = []
            loads[i + 1] = pltpu.async_copy(
                w_hbm.at[pl.ds(base + starts[i + 1], chunks[i + 1])],
                bufs[nxt].at[pl.ds(0, chunks[i + 1])], lsem)
        loads[i].wait()
        for b in range(B):
            pending[i % 2].append(pltpu.async_copy(
                bufs[i % 2].at[pl.ds(0, chunks[i])],
                out_hbm.at[b].at[pl.ds(base + starts[i], chunks[i])],
                ssem))
    for lst in pending:
        for st in lst:
            st.wait()


@functools.partial(jax.jit, static_argnums=(0, 1, 2))
def _broadcast_rows(B, T, H, W):
    nw = _NC * _NS
    rows_scs = (3 * T // 8) // _NC if T >= nw * 8 else 0
    rows_tec_total = T - _NC * rows_scs
    rows_w = rows_tec_total // nw
    rem = rows_tec_total - rows_w * nw
    tec_base0 = _NC * rows_scs + rem

    v_ch = 48
    s_ch = 256

    smesh = plsc.ScalarSubcoreMesh(axis_name="c", num_cores=_NC)
    vmesh = plsc.VectorSubcoreMesh(
        core_axis_name="c", subcore_axis_name="s",
        num_cores=_NC, num_subcores=_NS,
    )

    def scs_body(w_hbm, out_hbm, sbuf0, sbuf1, slsem, sssem,
                 vbuf0, vbuf1, vlsem, vssem):
        del vbuf0, vbuf1, vlsem, vssem
        c = lax.axis_index("c")
        chunks = _chunk_schedule(rows_scs + rem, s_ch)
        base = jnp.where(c == 0, 0, tec_base0 - (rows_scs + rem))
        _pipelined_copy(w_hbm, out_hbm, (sbuf0, sbuf1), slsem, sssem,
                        base, chunks, B)

    def tec_body(w_hbm, out_hbm, sbuf0, sbuf1, slsem, sssem,
                 vbuf0, vbuf1, vlsem, vssem):
        del sbuf0, sbuf1, slsem, sssem
        wid = lax.axis_index("s") * _NC + lax.axis_index("c")
        base = tec_base0 + wid * rows_w
        chunks = _chunk_schedule(rows_w, v_ch)
        _pipelined_copy(w_hbm, out_hbm, (vbuf0, vbuf1), vlsem, vssem,
                        base, chunks, B)

    run = pl.kernel(
        [scs_body, tec_body],
        out_type=jax.ShapeDtypeStruct((B, T, H), W.dtype),
        mesh=[smesh, vmesh],
        scratch_types=[
            pltpu.VMEM_SHARED((s_ch, H), W.dtype),
            pltpu.VMEM_SHARED((s_ch, H), W.dtype),
            pltpu.SemaphoreType.DMA @ smesh,
            pltpu.SemaphoreType.DMA @ smesh,
            (pltpu.VMEM @ vmesh)((v_ch, H), W.dtype),
            (pltpu.VMEM @ vmesh)((v_ch, H), W.dtype),
            pltpu.SemaphoreType.DMA @ vmesh,
            pltpu.SemaphoreType.DMA @ vmesh,
        ],
    )
    return run(W)


def kernel(X, W, dim):
    B, T = X.shape
    _, H = W.shape
    return _broadcast_rows(B, T, H, W)

# --- scband reference (transcript-rebuilt; emitter-appended) ---
"""Pipeline reference for scband-positional-embedding-73572789780492 (READ-ONLY COPY).

The authoritative reference and input builder live on the scoring server;
editing this copy changes nothing except your own understanding.
"""

import jax, jax.numpy as jnp
import numpy as np

MAXLEN = 8192
HIDDEN = 1024
BATCH = 4
SEQ = 8192


def _init_weight(maxlen, hidden_size):
    evens = np.arange(0, hidden_size, 2)
    odds = np.arange(1, hidden_size, 2)
    even_freq = 10000.0 ** (evens.astype(np.float32) / hidden_size)
    odd_freq = 10000.0 ** (odds.astype(np.float32) / hidden_size)
    pos = np.arange(0, maxlen).astype(np.float32)[:, None]
    w = np.empty((maxlen, hidden_size), dtype=np.float32)
    w[:, evens] = np.sin(pos / even_freq[None, :])
    w[:, odds] = np.cos(pos / odd_freq[None, :])
    return jnp.asarray(w)


def setup_inputs(seed: int = 0) -> dict:
    key = jax.random.key(seed)
    X = jax.random.randint(key, (BATCH, SEQ), 0, MAXLEN)
    W = _init_weight(MAXLEN, HIDDEN)
    return {"X": X, "W": W, "dim": 1}


def reference(X, W, dim=1):
    assert X.ndim == 2
    B, T = X.shape
    pos_idx = (jnp.arange(0, T) + (dim - dim))[None, :]  # [1, T]
    emb = jnp.take(W, pos_idx, axis=0)           # [1, T, H] embedding lookup
    emb = jnp.tile(emb, (B, 1, 1))               # repeat over batch -> [B, T, H]
    return emb

if __name__ == "__main__":
    import jax
    _d = setup_inputs()
    print(jax.jit(kernel)(*tuple(_d.values())))

</pallas_src>

<mosaic_0001>
#map = affine_map<(d0) -> (0, 0)>
#map1 = affine_map<(d0) -> (0, 0, 0)>
#map2 = affine_map<(d0, d1) -> (0, 0)>
#map3 = affine_map<(d0, d1) -> (0, 0, 0)>
module attributes {stable_mosaic.version = 14 : i64} {
  func.func @scs_body(%arg0: i32, %arg1: memref<8192x1024xf32, #tpu.memory_space<hbm>>, %arg2: memref<4x8192x1024xf32, #tpu.memory_space<hbm>>, %arg3: memref<256x1024xf32, #tpu.memory_space<vmem_shared>>, %arg4: memref<256x1024xf32, #tpu.memory_space<vmem_shared>>, %arg5: memref<!tpu.dma_semaphore, #tpu.memory_space<semaphore_mem>>, %arg6: memref<!tpu.dma_semaphore, #tpu.memory_space<semaphore_mem>>, %arg7: memref<48x1024xf32, #tpu.memory_space<vmem, sc_vector_subcore>>, %arg8: memref<48x1024xf32, #tpu.memory_space<vmem, sc_vector_subcore>>, %arg9: memref<!tpu.dma_semaphore, #tpu.memory_space<semaphore_mem, sc_vector_subcore>>, %arg10: memref<!tpu.dma_semaphore, #tpu.memory_space<semaphore_mem, sc_vector_subcore>>) attributes {dimension_semantics = [#tpu.dimension_semantics<core_parallel>], iteration_bounds = array<i64: 2>, scalar_prefetch = 0 : i64, scratch_operands = 8 : i64, tpu.core_type = #tpu.core_type<sc_scalar_subcore>, window_params = [{transform_indices = #map}, {transform_indices = #map1}]} {
    %eq3A = arith.constant 0 : i32
    %eq3A_0 = arith.cmpi eq, %arg0, %eq3A : i32
    %jit3A = arith.constant 0 : i32
    %jit3A_1 = arith.constant 1536 : i32
    %select_n3A = arith.select %eq3A_0, %jit3A, %jit3A_1 : i32
    %dma_start3A = arith.constant 0 : i32
    %dma_start3A_2 = arith.constant 0 : i32
    %dma_start3A_3 = tpu.memref_slice %arg3[%dma_start3A, %dma_start3A_2] : memref<256x1024xf32, #tpu.memory_space<vmem_shared>> -> memref<256x1024xf32, #tpu.memory_space<vmem_shared>>
    %dma_start3A_4 = arith.constant 0 : i32
    %dma_start3A_5 = tpu.memref_slice %arg1[%select_n3A, %dma_start3A_4] : memref<8192x1024xf32, #tpu.memory_space<hbm>> -> memref<256x1024xf32, #tpu.memory_space<hbm>>
    tpu.enqueue_dma source(%dma_start3A_5 : memref<256x1024xf32, #tpu.memory_space<hbm>>) target(%dma_start3A_3 : memref<256x1024xf32, #tpu.memory_space<vmem_shared>>) target_semaphore(%arg5 : memref<!tpu.dma_semaphore, #tpu.memory_space<semaphore_mem>>)
    %add3A = arith.constant 256 : i32
    %add3A_6 = arith.addi %select_n3A, %add3A : i32
    %dma_start3A_7 = arith.constant 0 : i32
    %dma_start3A_8 = arith.constant 0 : i32
    %dma_start3A_9 = tpu.memref_slice %arg4[%dma_start3A_7, %dma_start3A_8] : memref<256x1024xf32, #tpu.memory_space<vmem_shared>> -> memref<256x1024xf32, #tpu.memory_space<vmem_shared>>
    %dma_start3A_10 = arith.constant 0 : i32
    %dma_start3A_11 = tpu.memref_slice %arg1[%add3A_6, %dma_start3A_10] : memref<8192x1024xf32, #tpu.memory_space<hbm>> -> memref<256x1024xf32, #tpu.memory_space<hbm>>
    tpu.enqueue_dma source(%dma_start3A_11 : memref<256x1024xf32, #tpu.memory_space<hbm>>) target(%dma_start3A_9 : memref<256x1024xf32, #tpu.memory_space<vmem_shared>>) target_semaphore(%arg5 : memref<!tpu.dma_semaphore, #tpu.memory_space<semaphore_mem>>)
    %dma_wait3A = arith.constant 0 : i32
    %dma_wait3A_12 = arith.constant 0 : i32
    %dma_wait3A_13 = tpu.memref_slice %arg3[%dma_wait3A, %dma_wait3A_12] : memref<256x1024xf32, #tpu.memory_space<vmem_shared>> -> memref<256x1024xf32, #tpu.memory_space<vmem_shared>>
    %dma_wait3A_14 = arith.constant 0 : i32
    %dma_wait3A_15 = tpu.memref_slice %arg1[%select_n3A, %dma_wait3A_14] : memref<8192x1024xf32, #tpu.memory_space<hbm>> -> memref<256x1024xf32, #tpu.memory_space<hbm>>
    tpu.wait_dma2 semaphore(%arg5 : memref<!tpu.dma_semaphore, #tpu.memory_space<semaphore_mem>>) src(%dma_wait3A_15 : memref<256x1024xf32, #tpu.memory_space<hbm>>) dst(%dma_wait3A_13 : memref<256x1024xf32, #tpu.memory_space<vmem_shared>>)
    %add3A_16 = arith.constant 0 : i32
    %add3A_17 = arith.addi %select_n3A, %add3A_16 : i32
    %dma_start3A_18 = arith.constant 0 : i32
    %dma_start3A_19 = arith.constant 0 : i32
    %dma_start3A_20 = arith.constant 0 : i32
    %dma_start3A_21 = tpu.memref_slice %arg2[%dma_start3A_18, %dma_start3A_19, %dma_start3A_20] : memref<4x8192x1024xf32, #tpu.memory_space<hbm>> -> memref<1x8192x1024xf32, #tpu.memory_space<hbm>>
    %dma_start3A_22 = tpu.memref_squeeze %dma_start3A_21 : memref<1x8192x1024xf32, #tpu.memory_space<hbm>> -> memref<8192x1024xf32, #tpu.memory_space<hbm>>
    %dma_start3A_23 = arith.constant 0 : i32
    %dma_start3A_24 = tpu.memref_slice %dma_start3A_22[%add3A_17, %dma_start3A_23] : memref<8192x1024xf32, #tpu.memory_space<hbm>> -> memref<256x1024xf32, #tpu.memory_space<hbm>>
    %dma_start3A_25 = arith.constant 0 : i32
    %dma_start3A_26 = arith.constant 0 : i32
    %dma_start3A_27 = tpu.memref_slice %arg3[%dma_start3A_25, %dma_start3A_26] : memref<256x1024xf32, #tpu.memory_space<vmem_shared>> -> memref<256x1024xf32, #tpu.memory_space<vmem_shared>>
    tpu.enqueue_dma source(%dma_start3A_27 : memref<256x1024xf32, #tpu.memory_space<vmem_shared>>) target(%dma_start3A_24 : memref<256x1024xf32, #tpu.memory_space<hbm>>) target_semaphore(%arg6 : memref<!tpu.dma_semaphore, #tpu.memory_space<semaphore_mem>>)
    %add3A_28 = arith.constant 0 : i32
    %add3A_29 = arith.addi %select_n3A, %add3A_28 : i32
    %dma_start3A_30 = arith.constant 1 : i32
    %dma_start3A_31 = arith.constant 0 : i32
    %dma_start3A_32 = arith.constant 0 : i32
    %dma_start3A_33 = tpu.memref_slice %arg2[%dma_start3A_30, %dma_start3A_31, %dma_start3A_32] : memref<4x8192x1024xf32, #tpu.memory_space<hbm>> -> memref<1x8192x1024xf32, #tpu.memory_space<hbm>>
    %dma_start3A_34 = tpu.memref_squeeze %dma_start3A_33 : memref<1x8192x1024xf32, #tpu.memory_space<hbm>> -> memref<8192x1024xf32, #tpu.memory_space<hbm>>
    %dma_start3A_35 = arith.constant 0 : i32
    %dma_start3A_36 = tpu.memref_slice %dma_start3A_34[%add3A_29, %dma_start3A_35] : memref<8192x1024xf32, #tpu.memory_space<hbm>> -> memref<256x1024xf32, #tpu.memory_space<hbm>>
    %dma_start3A_37 = arith.constant 0 : i32
    %dma_start3A_38 = arith.constant 0 : i32
    %dma_start3A_39 = tpu.memref_slice %arg3[%dma_start3A_37, %dma_start3A_38] : memref<256x1024xf32, #tpu.memory_space<vmem_shared>> -> memref<256x1024xf32, #tpu.memory_space<vmem_shared>>
    tpu.enqueue_dma source(%dma_start3A_39 : memref<256x1024xf32, #tpu.memory_space<vmem_shared>>) target(%dma_start3A_36 : memref<256x1024xf32, #tpu.memory_space<hbm>>) target_semaphore(%arg6 : memref<!tpu.dma_semaphore, #tpu.memory_space<semaphore_mem>>)
    %add3A_40 = arith.constant 0 : i32
    %add3A_41 = arith.addi %select_n3A, %add3A_40 : i32
    %dma_start3A_42 = arith.constant 2 : i32
    %dma_start3A_43 = arith.constant 0 : i32
    %dma_start3A_44 = arith.constant 0 : i32
    %dma_start3A_45 = tpu.memref_slice %arg2[%dma_start3A_42, %dma_start3A_43, %dma_start3A_44] : memref<4x8192x1024xf32, #tpu.memory_space<hbm>> -> memref<1x8192x1024xf32, #tpu.memory_space<hbm>>
    %dma_start3A_46 = tpu.memref_squeeze %dma_start3A_45 : memref<1x8192x1024xf32, #tpu.memory_space<hbm>> -> memref<8192x1024xf32, #tpu.memory_space<hbm>>
    %dma_start3A_47 = arith.constant 0 : i32
    %dma_start3A_48 = tpu.memref_slice %dma_start3A_46[%add3A_41, %dma_start3A_47] : memref<8192x1024xf32, #tpu.memory_space<hbm>> -> memref<256x1024xf32, #tpu.memory_space<hbm>>
    %dma_start3A_49 = arith.constant 0 : i32
    %dma_start3A_50 = arith.constant 0 : i32
    %dma_start3A_51 = tpu.memref_slice %arg3[%dma_start3A_49, %dma_start3A_50] : memref<256x1024xf32, #tpu.memory_space<vmem_shared>> -> memref<256x1024xf32, #tpu.memory_space<vmem_shared>>
    tpu.enqueue_dma source(%dma_start3A_51 : memref<256x1024xf32, #tpu.memory_space<vmem_shared>>) target(%dma_start3A_48 : memref<256x1024xf32, #tpu.memory_space<hbm>>) target_semaphore(%arg6 : memref<!tpu.dma_semaphore, #tpu.memory_space<semaphore_mem>>)
    %add3A_52 = arith.constant 0 : i32
    %add3A_53 = arith.addi %select_n3A, %add3A_52 : i32
    %dma_start3A_54 = arith.constant 3 : i32
    %dma_start3A_55 = arith.constant 0 : i32
    %dma_start3A_56 = arith.constant 0 : i32
    %dma_start3A_57 = tpu.memref_slice %arg2[%dma_start3A_54, %dma_start3A_55, %dma_start3A_56] : memref<4x8192x1024xf32, #tpu.memory_space<hbm>> -> memref<1x8192x1024xf32, #tpu.memory_space<hbm>>
    %dma_start3A_58 = tpu.memref_squeeze %dma_start3A_57 : memref<1x8192x1024xf32, #tpu.memory_space<hbm>> -> memref<8192x1024xf32, #tpu.memory_space<hbm>>
    %dma_start3A_59 = arith.constant 0 : i32
    %dma_start3A_60 = tpu.memref_slice %dma_start3A_58[%add3A_53, %dma_start3A_59] : memref<8192x1024xf32, #tpu.memory_space<hbm>> -> memref<256x1024xf32, #tpu.memory_space<hbm>>
    %dma_start3A_61 = arith.constant 0 : i32
    %dma_start3A_62 = arith.constant 0 : i32
    %dma_start3A_63 = tpu.memref_slice %arg3[%dma_start3A_61, %dma_start3A_62] : memref<256x1024xf32, #tpu.memory_space<vmem_shared>> -> memref<256x1024xf32, #tpu.memory_space<vmem_shared>>
    tpu.enqueue_dma source(%dma_start3A_63 : memref<256x1024xf32, #tpu.memory_space<vmem_shared>>) target(%dma_start3A_60 : memref<256x1024xf32, #tpu.memory_space<hbm>>) target_semaphore(%arg6 : memref<!tpu.dma_semaphore, #tpu.memory_space<semaphore_mem>>)
    %dma_wait3A_64 = arith.constant 0 : i32
    %dma_wait3A_65 = arith.constant 0 : i32
    %dma_wait3A_66 = arith.constant 0 : i32
    %dma_wait3A_67 = tpu.memref_slice %arg2[%dma_wait3A_64, %dma_wait3A_65, %dma_wait3A_66] : memref<4x8192x1024xf32, #tpu.memory_space<hbm>> -> memref<1x8192x1024xf32, #tpu.memory_space<hbm>>
    %dma_wait3A_68 = tpu.memref_squeeze %dma_wait3A_67 : memref<1x8192x1024xf32, #tpu.memory_space<hbm>> -> memref<8192x1024xf32, #tpu.memory_space<hbm>>
    %dma_wait3A_69 = arith.constant 0 : i32
    %dma_wait3A_70 = tpu.memref_slice %dma_wait3A_68[%add3A_17, %dma_wait3A_69] : memref<8192x1024xf32, #tpu.memory_space<hbm>> -> memref<256x1024xf32, #tpu.memory_space<hbm>>
    %dma_wait3A_71 = arith.constant 0 : i32
    %dma_wait3A_72 = arith.constant 0 : i32
    %dma_wait3A_73 = tpu.memref_slice %arg3[%dma_wait3A_71, %dma_wait3A_72] : memref<256x1024xf32, #tpu.memory_space<vmem_shared>> -> memref<256x1024xf32, #tpu.memory_space<vmem_shared>>
    tpu.wait_dma2 semaphore(%arg6 : memref<!tpu.dma_semaphore, #tpu.memory_space<semaphore_mem>>) src(%dma_wait3A_73 : memref<256x1024xf32, #tpu.memory_space<vmem_shared>>) dst(%dma_wait3A_70 : memref<256x1024xf32, #tpu.memory_space<hbm>>)
    %dma_wait3A_74 = arith.constant 1 : i32
    %dma_wait3A_75 = arith.constant 0 : i32
    %dma_wait3A_76 = arith.constant 0 : i32
    %dma_wait3A_77 = tpu.memref_slice %arg2[%dma_wait3A_74, %dma_wait3A_75, %dma_wait3A_76] : memref<4x8192x1024xf32, #tpu.memory_space<hbm>> -> memref<1x8192x1024xf32, #tpu.memory_space<hbm>>
    %dma_wait3A_78 = tpu.memref_squeeze %dma_wait3A_77 : memref<1x8192x1024xf32, #tpu.memory_space<hbm>> -> memref<8192x1024xf32, #tpu.memory_space<hbm>>
    %dma_wait3A_79 = arith.constant 0 : i32
    %dma_wait3A_80 = tpu.memref_slice %dma_wait3A_78[%add3A_29, %dma_wait3A_79] : memref<8192x1024xf32, #tpu.memory_space<hbm>> -> memref<256x1024xf32, #tpu.memory_space<hbm>>
    %dma_wait3A_81 = arith.constant 0 : i32
    %dma_wait3A_82 = arith.constant 0 : i32
    %dma_wait3A_83 = tpu.memref_slice %arg3[%dma_wait3A_81, %dma_wait3A_82] : memref<256x1024xf32, #tpu.memory_space<vmem_shared>> -> memref<256x1024xf32, #tpu.memory_space<vmem_shared>>
    tpu.wait_dma2 semaphore(%arg6 : memref<!tpu.dma_semaphore, #tpu.memory_space<semaphore_mem>>) src(%dma_wait3A_83 : memref<256x1024xf32, #tpu.memory_space<vmem_shared>>) dst(%dma_wait3A_80 : memref<256x1024xf32, #tpu.memory_space<hbm>>)
    %dma_wait3A_84 = arith.constant 2 : i32
    %dma_wait3A_85 = arith.constant 0 : i32
    %dma_wait3A_86 = arith.constant 0 : i32
    %dma_wait3A_87 = tpu.memref_slice %arg2[%dma_wait3A_84, %dma_wait3A_85, %dma_wait3A_86] : memref<4x8192x1024xf32, #tpu.memory_space<hbm>> -> memref<1x8192x1024xf32, #tpu.memory_space<hbm>>
    %dma_wait3A_88 = tpu.memref_squeeze %dma_wait3A_87 : memref<1x8192x1024xf32, #tpu.memory_space<hbm>> -> memref<8192x1024xf32, #tpu.memory_space<hbm>>
    %dma_wait3A_89 = arith.constant 0 : i32
    %dma_wait3A_90 = tpu.memref_slice %dma_wait3A_88[%add3A_41, %dma_wait3A_89] : memref<8192x1024xf32, #tpu.memory_space<hbm>> -> memref<256x1024xf32, #tpu.memory_space<hbm>>
    %dma_wait3A_91 = arith.constant 0 : i32
    %dma_wait3A_92 = arith.constant 0 : i32
    %dma_wait3A_93 = tpu.memref_slice %arg3[%dma_wait3A_91, %dma_wait3A_92] : memref<256x1024xf32, #tpu.memory_space<vmem_shared>> -> memref<256x1024xf32, #tpu.memory_space<vmem_shared>>
    tpu.wait_dma2 semaphore(%arg6 : memref<!tpu.dma_semaphore, #tpu.memory_space<semaphore_mem>>) src(%dma_wait3A_93 : memref<256x1024xf32, #tpu.memory_space<vmem_shared>>) dst(%dma_wait3A_90 : memref<256x1024xf32, #tpu.memory_space<hbm>>)
    %dma_wait3A_94 = arith.constant 3 : i32
    %dma_wait3A_95 = arith.constant 0 : i32
    %dma_wait3A_96 = arith.constant 0 : i32
    %dma_wait3A_97 = tpu.memref_slice %arg2[%dma_wait3A_94, %dma_wait3A_95, %dma_wait3A_96] : memref<4x8192x1024xf32, #tpu.memory_space<hbm>> -> memref<1x8192x1024xf32, #tpu.memory_space<hbm>>
    %dma_wait3A_98 = tpu.memref_squeeze %dma_wait3A_97 : memref<1x8192x1024xf32, #tpu.memory_space<hbm>> -> memref<8192x1024xf32, #tpu.memory_space<hbm>>
    %dma_wait3A_99 = arith.constant 0 : i32
    %dma_wait3A_100 = tpu.memref_slice %dma_wait3A_98[%add3A_53, %dma_wait3A_99] : memref<8192x1024xf32, #tpu.memory_space<hbm>> -> memref<256x1024xf32, #tpu.memory_space<hbm>>
    %dma_wait3A_101 = arith.constant 0 : i32
    %dma_wait3A_102 = arith.constant 0 : i32
    %dma_wait3A_103 = tpu.memref_slice %arg3[%dma_wait3A_101, %dma_wait3A_102] : memref<256x1024xf32, #tpu.memory_space<vmem_shared>> -> memref<256x1024xf32, #tpu.memory_space<vmem_shared>>
    tpu.wait_dma2 semaphore(%arg6 : memref<!tpu.dma_semaphore, #tpu.memory_space<semaphore_mem>>) src(%dma_wait3A_103 : memref<256x1024xf32, #tpu.memory_space<vmem_shared>>) dst(%dma_wait3A_100 : memref<256x1024xf32, #tpu.memory_space<hbm>>)
    %add3A_104 = arith.constant 512 : i32
    %add3A_105 = arith.addi %select_n3A, %add3A_104 : i32
    %dma_start3A_106 = arith.constant 0 : i32
    %dma_start3A_107 = arith.constant 0 : i32
    %dma_start3A_108 = tpu.memref_slice %arg3[%dma_start3A_106, %dma_start3A_107] : memref<256x1024xf32, #tpu.memory_space<vmem_shared>> -> memref<256x1024xf32, #tpu.memory_space<vmem_shared>>
    %dma_start3A_109 = arith.constant 0 : i32
    %dma_start3A_110 = tpu.memref_slice %arg1[%add3A_105, %dma_start3A_109] : memref<8192x1024xf32, #tpu.memory_space<hbm>> -> memref<256x1024xf32, #tpu.memory_space<hbm>>
    tpu.enqueue_dma source(%dma_start3A_110 : memref<256x1024xf32, #tpu.memory_space<hbm>>) target(%dma_start3A_108 : memref<256x1024xf32, #tpu.memory_space<vmem_shared>>) target_semaphore(%arg5 : memref<!tpu.dma_semaphore, #tpu.memory_space<semaphore_mem>>)
    %dma_wait3A_111 = arith.constant 0 : i32
    %dma_wait3A_112 = arith.constant 0 : i32
    %dma_wait3A_113 = tpu.memref_slice %arg4[%dma_wait3A_111, %dma_wait3A_112] : memref<256x1024xf32, #tpu.memory_space<vmem_shared>> -> memref<256x1024xf32, #tpu.memory_space<vmem_shared>>
    %dma_wait3A_114 = arith.constant 0 : i32
    %dma_wait3A_115 = tpu.memref_slice %arg1[%add3A_6, %dma_wait3A_114] : memref<8192x1024xf32, #tpu.memory_space<hbm>> -> memref<256x1024xf32, #tpu.memory_space<hbm>>
    tpu.wait_dma2 semaphore(%arg5 : memref<!tpu.dma_semaphore, #tpu.memory_space<semaphore_mem>>) src(%dma_wait3A_115 : memref<256x1024xf32, #tpu.memory_space<hbm>>) dst(%dma_wait3A_113 : memref<256x1024xf32, #tpu.memory_space<vmem_shared>>)
    %add3A_116 = arith.constant 256 : i32
    %add3A_117 = arith.addi %select_n3A, %add3A_116 : i32
    %dma_start3A_118 = arith.constant 0 : i32
    %dma_start3A_119 = arith.constant 0 : i32
    %dma_start3A_120 = arith.constant 0 : i32
    %dma_start3A_121 = tpu.memref_slice %arg2[%dma_start3A_118, %dma_start3A_119, %dma_start3A_120] : memref<4x8192x1024xf32, #tpu.memory_space<hbm>> -> memref<1x8192x1024xf32, #tpu.memory_space<hbm>>
    %dma_start3A_122 = tpu.memref_squeeze %dma_start3A_121 : memref<1x8192x1024xf32, #tpu.memory_space<hbm>> -> memref<8192x1024xf32, #tpu.memory_space<hbm>>
    %dma_start3A_123 = arith.constant 0 : i32
    %dma_start3A_124 = tpu.memref_slice %dma_start3A_122[%add3A_117, %dma_start3A_123] : memref<8192x1024xf32, #tpu.memory_space<hbm>> -> memref<256x1024xf32, #tpu.memory_space<hbm>>
    %dma_start3A_125 = arith.constant 0 : i32
    %dma_start3A_126 = arith.constant 0 : i32
    %dma_start3A_127 = tpu.memref_slice %arg4[%dma_start3A_125, %dma_start3A_126] : memref<256x1024xf32, #tpu.memory_space<vmem_shared>> -> memref<256x1024xf32, #tpu.memory_space<vmem_shared>>
    tpu.enqueue_dma source(%dma_start3A_127 : memref<256x1024xf32, #tpu.memory_space<vmem_shared>>) target(%dma_start3A_124 : memref<256x1024xf32, #tpu.memory_space<hbm>>) target_semaphore(%arg6 : memref<!tpu.dma_semaphore, #tpu.memory_space<semaphore_mem>>)
    %add3A_128 = arith.constant 256 : i32
    %add3A_129 = arith.addi %select_n3A, %add3A_128 : i32
    %dma_start3A_130 = arith.constant 1 : i32
    %dma_start3A_131 = arith.constant 0 : i32
    %dma_start3A_132 = arith.constant 0 : i32
    %dma_start3A_133 = tpu.memref_slice %arg2[%dma_start3A_130, %dma_start3A_131, %dma_start3A_132] : memref<4x8192x1024xf32, #tpu.memory_space<hbm>> -> memref<1x8192x1024xf32, #tpu.memory_space<hbm>>
    %dma_start3A_134 = tpu.memref_squeeze %dma_start3A_133 : memref<1x8192x1024xf32, #tpu.memory_space<hbm>> -> memref<8192x1024xf32, #tpu.memory_space<hbm>>
    %dma_start3A_135 = arith.constant 0 : i32
    %dma_start3A_136 = tpu.memref_slice %dma_start3A_134[%add3A_129, %dma_start3A_135] : memref<8192x1024xf32, #tpu.memory_space<hbm>> -> memref<256x1024xf32, #tpu.memory_space<hbm>>
    %dma_start3A_137 = arith.constant 0 : i32
    %dma_start3A_138 = arith.constant 0 : i32
    %dma_start3A_139 = tpu.memref_slice %arg4[%dma_start3A_137, %dma_start3A_138] : memref<256x1024xf32, #tpu.memory_space<vmem_shared>> -> memref<256x1024xf32, #tpu.memory_space<vmem_shared>>
    tpu.enqueue_dma source(%dma_start3A_139 : memref<256x1024xf32, #tpu.memory_space<vmem_shared>>) target(%dma_start3A_136 : memref<256x1024xf32, #tpu.memory_space<hbm>>) target_semaphore(%arg6 : memref<!tpu.dma_semaphore, #tpu.memory_space<semaphore_mem>>)
    %add3A_140 = arith.constant 256 : i32
    %add3A_141 = arith.addi %select_n3A, %add3A_140 : i32
    %dma_start3A_142 = arith.constant 2 : i32
    %dma_start3A_143 = arith.constant 0 : i32
    %dma_start3A_144 = arith.constant 0 : i32
    %dma_start3A_145 = tpu.memref_slice %arg2[%dma_start3A_142, %dma_start3A_143, %dma_start3A_144] : memref<4x8192x1024xf32, #tpu.memory_space<hbm>> -> memref<1x8192x1024xf32, #tpu.memory_space<hbm>>
    %dma_start3A_146 = tpu.memref_squeeze %dma_start3A_145 : memref<1x8192x1024xf32, #tpu.memory_space<hbm>> -> memref<8192x1024xf32, #tpu.memory_space<hbm>>
    %dma_start3A_147 = arith.constant 0 : i32
    %dma_start3A_148 = tpu.memref_slice %dma_start3A_146[%add3A_141, %dma_start3A_147] : memref<8192x1024xf32, #tpu.memory_space<hbm>> -> memref<256x1024xf32, #tpu.memory_space<hbm>>
    %dma_start3A_149 = arith.constant 0 : i32
    %dma_start3A_150 = arith.constant 0 : i32
    %dma_start3A_151 = tpu.memref_slice %arg4[%dma_start3A_149, %dma_start3A_150] : memref<256x1024xf32, #tpu.memory_space<vmem_shared>> -> memref<256x1024xf32, #tpu.memory_space<vmem_shared>>
    tpu.enqueue_dma source(%dma_start3A_151 : memref<256x1024xf32, #tpu.memory_space<vmem_shared>>) target(%dma_start3A_148 : memref<256x1024xf32, #tpu.memory_space<hbm>>) target_semaphore(%arg6 : memref<!tpu.dma_semaphore, #tpu.memory_space<semaphore_mem>>)
    %add3A_152 = arith.constant 256 : i32
    %add3A_153 = arith.addi %select_n3A, %add3A_152 : i32
    %dma_start3A_154 = arith.constant 3 : i32
    %dma_start3A_155 = arith.constant 0 : i32
    %dma_start3A_156 = arith.constant 0 : i32
    %dma_start3A_157 = tpu.memref_slice %arg2[%dma_start3A_154, %dma_start3A_155, %dma_start3A_156] : memref<4x8192x1024xf32, #tpu.memory_space<hbm>> -> memref<1x8192x1024xf32, #tpu.memory_space<hbm>>
    %dma_start3A_158 = tpu.memref_squeeze %dma_start3A_157 : memref<1x8192x1024xf32, #tpu.memory_space<hbm>> -> memref<8192x1024xf32, #tpu.memory_space<hbm>>
    %dma_start3A_159 = arith.constant 0 : i32
    %dma_start3A_160 = tpu.memref_slice %dma_start3A_158[%add3A_153, %dma_start3A_159] : memref<8192x1024xf32, #tpu.memory_space<hbm>> -> memref<256x1024xf32, #tpu.memory_space<hbm>>
    %dma_start3A_161 = arith.constant 0 : i32
    %dma_start3A_162 = arith.constant 0 : i32
    %dma_start3A_163 = tpu.memref_slice %arg4[%dma_start3A_161, %dma_start3A_162] : memref<256x1024xf32, #tpu.memory_space<vmem_shared>> -> memref<256x1024xf32, #tpu.memory_space<vmem_shared>>
    tpu.enqueue_dma source(%dma_start3A_163 : memref<256x1024xf32, #tpu.memory_space<vmem_shared>>) target(%dma_start3A_160 : memref<256x1024xf32, #tpu.memory_space<hbm>>) target_semaphore(%arg6 : memref<!tpu.dma_semaphore, #tpu.memory_space<semaphore_mem>>)
    %dma_wait3A_164 = arith.constant 0 : i32
    %dma_wait3A_165 = arith.constant 0 : i32
    %dma_wait3A_166 = arith.constant 0 : i32
    %dma_wait3A_167 = tpu.memref_slice %arg2[%dma_wait3A_164, %dma_wait3A_165, %dma_wait3A_166] : memref<4x8192x1024xf32, #tpu.memory_space<hbm>> -> memref<1x8192x1024xf32, #tpu.memory_space<hbm>>
    %dma_wait3A_168 = tpu.memref_squeeze %dma_wait3A_167 : memref<1x8192x1024xf32, #tpu.memory_space<hbm>> -> memref<8192x1024xf32, #tpu.memory_space<hbm>>
    %dma_wait3A_169 = arith.constant 0 : i32
    %dma_wait3A_170 = tpu.memref_slice %dma_wait3A_168[%add3A_117, %dma_wait3A_169] : memref<8192x1024xf32, #tpu.memory_space<hbm>> -> memref<256x1024xf32, #tpu.memory_space<hbm>>
    %dma_wait3A_171 = arith.constant 0 : i32
    %dma_wait3A_172 = arith.constant 0 : i32
    %dma_wait3A_173 = tpu.memref_slice %arg4[%dma_wait3A_171, %dma_wait3A_172] : memref<256x1024xf32, #tpu.memory_space<vmem_shared>> -> memref<256x1024xf32, #tpu.memory_space<vmem_shared>>
    tpu.wait_dma2 semaphore(%arg6 : memref<!tpu.dma_semaphore, #tpu.memory_space<semaphore_mem>>) src(%dma_wait3A_173 : memref<256x1024xf32, #tpu.memory_space<vmem_shared>>) dst(%dma_wait3A_170 : memref<256x1024xf32, #tpu.memory_space<hbm>>)
    %dma_wait3A_174 = arith.constant 1 : i32
    %dma_wait3A_175 = arith.constant 0 : i32
    %dma_wait3A_176 = arith.constant 0 : i32
    %dma_wait3A_177 = tpu.memref_slice %arg2[%dma_wait3A_174, %dma_wait3A_175, %dma_wait3A_176] : memref<4x8192x1024xf32, #tpu.memory_space<hbm>> -> memref<1x8192x1024xf32, #tpu.memory_space<hbm>>
    %dma_wait3A_178 = tpu.memref_squeeze %dma_wait3A_177 : memref<1x8192x1024xf32, #tpu.memory_space<hbm>> -> memref<8192x1024xf32, #tpu.memory_space<hbm>>
    %dma_wait3A_179 = arith.constant 0 : i32
    %dma_wait3A_180 = tpu.memref_slice %dma_wait3A_178[%add3A_129, %dma_wait3A_179] : memref<8192x1024xf32, #tpu.memory_space<hbm>> -> memref<256x1024xf32, #tpu.memory_space<hbm>>
    %dma_wait3A_181 = arith.constant 0 : i32
    %dma_wait3A_182 = arith.constant 0 : i32
    %dma_wait3A_183 = tpu.memref_slice %arg4[%dma_wait3A_181, %dma_wait3A_182] : memref<256x1024xf32, #tpu.memory_space<vmem_shared>> -> memref<256x1024xf32, #tpu.memory_space<vmem_shared>>
    tpu.wait_dma2 semaphore(%arg6 : memref<!tpu.dma_semaphore, #tpu.memory_space<semaphore_mem>>) src(%dma_wait3A_183 : memref<256x1024xf32, #tpu.memory_space<vmem_shared>>) dst(%dma_wait3A_180 : memref<256x1024xf32, #tpu.memory_space<hbm>>)
    %dma_wait3A_184 = arith.constant 2 : i32
    %dma_wait3A_185 = arith.constant 0 : i32
    %dma_wait3A_186 = arith.constant 0 : i32
    %dma_wait3A_187 = tpu.memref_slice %arg2[%dma_wait3A_184, %dma_wait3A_185, %dma_wait3A_186] : memref<4x8192x1024xf32, #tpu.memory_space<hbm>> -> memref<1x8192x1024xf32, #tpu.memory_space<hbm>>
    %dma_wait3A_188 = tpu.memref_squeeze %dma_wait3A_187 : memref<1x8192x1024xf32, #tpu.memory_space<hbm>> -> memref<8192x1024xf32, #tpu.memory_space<hbm>>
    %dma_wait3A_189 = arith.constant 0 : i32
    %dma_wait3A_190 = tpu.memref_slice %dma_wait3A_188[%add3A_141, %dma_wait3A_189] : memref<8192x1024xf32, #tpu.memory_space<hbm>> -> memref<256x1024xf32, #tpu.memory_space<hbm>>
    %dma_wait3A_191 = arith.constant 0 : i32
    %dma_wait3A_192 = arith.constant 0 : i32
    %dma_wait3A_193 = tpu.memref_slice %arg4[%dma_wait3A_191, %dma_wait3A_192] : memref<256x1024xf32, #tpu.memory_space<vmem_shared>> -> memref<256x1024xf32, #tpu.memory_space<vmem_shared>>
    tpu.wait_dma2 semaphore(%arg6 : memref<!tpu.dma_semaphore, #tpu.memory_space<semaphore_mem>>) src(%dma_wait3A_193 : memref<256x1024xf32, #tpu.memory_space<vmem_shared>>) dst(%dma_wait3A_190 : memref<256x1024xf32, #tpu.memory_space<hbm>>)
    %dma_wait3A_194 = arith.constant 3 : i32
    %dma_wait3A_195 = arith.constant 0 : i32
    %dma_wait3A_196 = arith.constant 0 : i32
    %dma_wait3A_197 = tpu.memref_slice %arg2[%dma_wait3A_194, %dma_wait3A_195, %dma_wait3A_196] : memref<4x8192x1024xf32, #tpu.memory_space<hbm>> -> memref<1x8192x1024xf32, #tpu.memory_space<hbm>>
    %dma_wait3A_198 = tpu.memref_squeeze %dma_wait3A_197 : memref<1x8192x1024xf32, #tpu.memory_space<hbm>> -> memref<8192x1024xf32, #tpu.memory_space<hbm>>
    %dma_wait3A_199 = arith.constant 0 : i32
    %dma_wait3A_200 = tpu.memref_slice %dma_wait3A_198[%add3A_153, %dma_wait3A_199] : memref<8192x1024xf32, #tpu.memory_space<hbm>> -> memref<256x1024xf32, #tpu.memory_space<hbm>>
    %dma_wait3A_201 = arith.constant 0 : i32
    %dma_wait3A_202 = arith.constant 0 : i32
    %dma_wait3A_203 = tpu.memref_slice %arg4[%dma_wait3A_201, %dma_wait3A_202] : memref<256x1024xf32, #tpu.memory_space<vmem_shared>> -> memref<256x1024xf32, #tpu.memory_space<vmem_shared>>
    tpu.wait_dma2 semaphore(%arg6 : memref<!tpu.dma_semaphore, #tpu.memory_space<semaphore_mem>>) src(%dma_wait3A_203 : memref<256x1024xf32, #tpu.memory_space<vmem_shared>>) dst(%dma_wait3A_200 : memref<256x1024xf32, #tpu.memory_space<hbm>>)
    %add3A_204 = arith.constant 768 : i32
    %add3A_205 = arith.addi %select_n3A, %add3A_204 : i32
    %dma_start3A_206 = arith.constant 0 : i32
    %dma_start3A_207 = arith.constant 0 : i32
    %dma_start3A_208 = tpu.memref_slice %arg4[%dma_start3A_206, %dma_start3A_207] : memref<256x1024xf32, #tpu.memory_space<vmem_shared>> -> memref<256x1024xf32, #tpu.memory_space<vmem_shared>>
    %dma_start3A_209 = arith.constant 0 : i32
    %dma_start3A_210 = tpu.memref_slice %arg1[%add3A_205, %dma_start3A_209] : memref<8192x1024xf32, #tpu.memory_space<hbm>> -> memref<256x1024xf32, #tpu.memory_space<hbm>>
    tpu.enqueue_dma source(%dma_start3A_210 : memref<256x1024xf32, #tpu.memory_space<hbm>>) target(%dma_start3A_208 : memref<256x1024xf32, #tpu.memory_space<vmem_shared>>) target_semaphore(%arg5 : memref<!tpu.dma_semaphore, #tpu.memory_space<semaphore_mem>>)
    %dma_wait3A_211 = arith.constant 0 : i32
    %dma_wait3A_212 = arith.constant 0 : i32
    %dma_wait3A_213 = tpu.memref_slice %arg3[%dma_wait3A_211, %dma_wait3A_212] : memref<256x1024xf32, #tpu.memory_space<vmem_shared>> -> memref<256x1024xf32, #tpu.memory_space<vmem_shared>>
    %dma_wait3A_214 = arith.constant 0 : i32
    %dma_wait3A_215 = tpu.memref_slice %arg1[%add3A_105, %dma_wait3A_214] : memref<8192x1024xf32, #tpu.memory_space<hbm>> -> memref<256x1024xf32, #tpu.memory_space<hbm>>
    tpu.wait_dma2 semaphore(%arg5 : memref<!tpu.dma_semaphore, #tpu.memory_space<semaphore_mem>>) src(%dma_wait3A_215 : memref<256x1024xf32, #tpu.memory_space<hbm>>) dst(%dma_wait3A_213 : memref<256x1024xf32, #tpu.memory_space<vmem_shared>>)
    %add3A_216 = arith.constant 512 : i32
    %add3A_217 = arith.addi %select_n3A, %add3A_216 : i32
    %dma_start3A_218 = arith.constant 0 : i32
    %dma_start3A_219 = arith.constant 0 : i32
    %dma_start3A_220 = arith.constant 0 : i32
    %dma_start3A_221 = tpu.memref_slice %arg2[%dma_start3A_218, %dma_start3A_219, %dma_start3A_220] : memref<4x8192x1024xf32, #tpu.memory_space<hbm>> -> memref<1x8192x1024xf32, #tpu.memory_space<hbm>>
    %dma_start3A_222 = tpu.memref_squeeze %dma_start3A_221 : memref<1x8192x1024xf32, #tpu.memory_space<hbm>> -> memref<8192x1024xf32, #tpu.memory_space<hbm>>
    %dma_start3A_223 = arith.constant 0 : i32
    %dma_start3A_224 = tpu.memref_slice %dma_start3A_222[%add3A_217, %dma_start3A_223] : memref<8192x1024xf32, #tpu.memory_space<hbm>> -> memref<256x1024xf32, #tpu.memory_space<hbm>>
    %dma_start3A_225 = arith.constant 0 : i32
    %dma_start3A_226 = arith.constant 0 : i32
    %dma_start3A_227 = tpu.memref_slice %arg3[%dma_start3A_225, %dma_start3A_226] : memref<256x1024xf32, #tpu.memory_space<vmem_shared>> -> memref<256x1024xf32, #tpu.memory_space<vmem_shared>>
    tpu.enqueue_dma source(%dma_start3A_227 : memref<256x1024xf32, #tpu.memory_space<vmem_shared>>) target(%dma_start3A_224 : memref<256x1024xf32, #tpu.memory_space<hbm>>) target_semaphore(%arg6 : memref<!tpu.dma_semaphore, #tpu.memory_space<semaphore_mem>>)
    %add3A_228 = arith.constant 512 : i32
    %add3A_229 = arith.addi %select_n3A, %add3A_228 : i32
    %dma_start3A_230 = arith.constant 1 : i32
    %dma_start3A_231 = arith.constant 0 : i32
    %dma_start3A_232 = arith.constant 0 : i32
    %dma_start3A_233 = tpu.memref_slice %arg2[%dma_start3A_230, %dma_start3A_231, %dma_start3A_232] : memref<4x8192x1024xf32, #tpu.memory_space<hbm>> -> memref<1x8192x1024xf32, #tpu.memory_space<hbm>>
    %dma_start3A_234 = tpu.memref_squeeze %dma_start3A_233 : memref<1x8192x1024xf32, #tpu.memory_space<hbm>> -> memref<8192x1024xf32, #tpu.memory_space<hbm>>
    %dma_start3A_235 = arith.constant 0 : i32
    %dma_start3A_236 = tpu.memref_slice %dma_start3A_234[%add3A_229, %dma_start3A_235] : memref<8192x1024xf32, #tpu.memory_space<hbm>> -> memref<256x1024xf32, #tpu.memory_space<hbm>>
    %dma_start3A_237 = arith.constant 0 : i32
    %dma_start3A_238 = arith.constant 0 : i32
    %dma_start3A_239 = tpu.memref_slice %arg3[%dma_start3A_237, %dma_start3A_238] : memref<256x1024xf32, #tpu.memory_space<vmem_shared>> -> memref<256x1024xf32, #tpu.memory_space<vmem_shared>>
    tpu.enqueue_dma source(%dma_start3A_239 : memref<256x1024xf32, #tpu.memory_space<vmem_shared>>) target(%dma_start3A_236 : memref<256x1024xf32, #tpu.memory_space<hbm>>) target_semaphore(%arg6 : memref<!tpu.dma_semaphore, #tpu.memory_space<semaphore_mem>>)
    %add3A_240 = arith.constant 512 : i32
    %add3A_241 = arith.addi %select_n3A, %add3A_240 : i32
    %dma_start3A_242 = arith.constant 2 : i32
    %dma_start3A_243 = arith.constant 0 : i32
    %dma_start3A_244 = arith.constant 0 : i32
    %dma_start3A_245 = tpu.memref_slice %arg2[%dma_start3A_242, %dma_start3A_243, %dma_start3A_244] : memref<4x8192x1024xf32, #tpu.memory_space<hbm>> -> memref<1x8192x1024xf32, #tpu.memory_space<hbm>>
    %dma_start3A_246 = tpu.memref_squeeze %dma_start3A_245 : memref<1x8192x1024xf32, #tpu.memory_space<hbm>> -> memref<8192x1024xf32, #tpu.memory_space<hbm>>
    %dma_start3A_247 = arith.constant 0 : i32
    %dma_start3A_248 = tpu.memref_slice %dma_start3A_246[%add3A_241, %dma_start3A_247] : memref<8192x1024xf32, #tpu.memory_space<hbm>> -> memref<256x1024xf32, #tpu.memory_space<hbm>>
    %dma_start3A_249 = arith.constant 0 : i32
    %dma_start3A_250 = arith.constant 0 : i32
    %dma_start3A_251 = tpu.memref_slice %arg3[%dma_start3A_249, %dma_start3A_250] : memref<256x1024xf32, #tpu.memory_space<vmem_shared>> -> memref<256x1024xf32, #tpu.memory_space<vmem_shared>>
    tpu.enqueue_dma source(%dma_start3A_251 : memref<256x1024xf32, #tpu.memory_space<vmem_shared>>) target(%dma_start3A_248 : memref<256x1024xf32, #tpu.memory_space<hbm>>) target_semaphore(%arg6 : memref<!tpu.dma_semaphore, #tpu.memory_space<semaphore_mem>>)
    %add3A_252 = arith.constant 512 : i32
    %add3A_253 = arith.addi %select_n3A, %add3A_252 : i32
    %dma_start3A_254 = arith.constant 3 : i32
    %dma_start3A_255 = arith.constant 0 : i32
    %dma_start3A_256 = arith.constant 0 : i32
    %dma_start3A_257 = tpu.memref_slice %arg2[%dma_start3A_254, %dma_start3A_255, %dma_start3A_256] : memref<4x8192x1024xf32, #tpu.memory_space<hbm>> -> memref<1x8192x1024xf32, #tpu.memory_space<hbm>>
    %dma_start3A_258 = tpu.memref_squeeze %dma_start3A_257 : memref<1x8192x1024xf32, #tpu.memory_space<hbm>> -> memref<8192x1024xf32, #tpu.memory_space<hbm>>
    %dma_start3A_259 = arith.constant 0 : i32
    %dma_start3A_260 = tpu.memref_slice %dma_start3A_258[%add3A_253, %dma_start3A_259] : memref<8192x1024xf32, #tpu.memory_space<hbm>> -> memref<256x1024xf32, #tpu.memory_space<hbm>>
    %dma_start3A_261 = arith.constant 0 : i32
    %dma_start3A_262 = arith.constant 0 : i32
    %dma_start3A_263 = tpu.memref_slice %arg3[%dma_start3A_261, %dma_start3A_262] : memref<256x1024xf32, #tpu.memory_space<vmem_shared>> -> memref<256x1024xf32, #tpu.memory_space<vmem_shared>>
    tpu.enqueue_dma source(%dma_start3A_263 : memref<256x1024xf32, #tpu.memory_space<vmem_shared>>) target(%dma_start3A_260 : memref<256x1024xf32, #tpu.memory_space<hbm>>) target_semaphore(%arg6 : memref<!tpu.dma_semaphore, #tpu.memory_space<semaphore_mem>>)
    %dma_wait3A_264 = arith.constant 0 : i32
    %dma_wait3A_265 = arith.constant 0 : i32
    %dma_wait3A_266 = arith.constant 0 : i32
    %dma_wait3A_267 = tpu.memref_slice %arg2[%dma_wait3A_264, %dma_wait3A_265, %dma_wait3A_266] : memref<4x8192x1024xf32, #tpu.memory_space<hbm>> -> memref<1x8192x1024xf32, #tpu.memory_space<hbm>>
    %dma_wait3A_268 = tpu.memref_squeeze %dma_wait3A_267 : memref<1x8192x1024xf32, #tpu.memory_space<hbm>> -> memref<8192x1024xf32, #tpu.memory_space<hbm>>
    %dma_wait3A_269 = arith.constant 0 : i32
    %dma_wait3A_270 = tpu.memref_slice %dma_wait3A_268[%add3A_217, %dma_wait3A_269] : memref<8192x1024xf32, #tpu.memory_space<hbm>> -> memref<256x1024xf32, #tpu.memory_space<hbm>>
    %dma_wait3A_271 = arith.constant 0 : i32
    %dma_wait3A_272 = arith.constant 0 : i32
    %dma_wait3A_273 = tpu.memref_slice %arg3[%dma_wait3A_271, %dma_wait3A_272] : memref<256x1024xf32, #tpu.memory_space<vmem_shared>> -> memref<256x1024xf32, #tpu.memory_space<vmem_shared>>
    tpu.wait_dma2 semaphore(%arg6 : memref<!tpu.dma_semaphore, #tpu.memory_space<semaphore_mem>>) src(%dma_wait3A_273 : memref<256x1024xf32, #tpu.memory_space<vmem_shared>>) dst(%dma_wait3A_270 : memref<256x1024xf32, #tpu.memory_space<hbm>>)
    %dma_wait3A_274 = arith.constant 1 : i32
    %dma_wait3A_275 = arith.constant 0 : i32
    %dma_wait3A_276 = arith.constant 0 : i32
    %dma_wait3A_277 = tpu.memref_slice %arg2[%dma_wait3A_274, %dma_wait3A_275, %dma_wait3A_276] : memref<4x8192x1024xf32, #tpu.memory_space<hbm>> -> memref<1x8192x1024xf32, #tpu.memory_space<hbm>>
    %dma_wait3A_278 = tpu.memref_squeeze %dma_wait3A_277 : memref<1x8192x1024xf32, #tpu.memory_space<hbm>> -> memref<8192x1024xf32, #tpu.memory_space<hbm>>
    %dma_wait3A_279 = arith.constant 0 : i32
    %dma_wait3A_280 = tpu.memref_slice %dma_wait3A_278[%add3A_229, %dma_wait3A_279] : memref<8192x1024xf32, #tpu.memory_space<hbm>> -> memref<256x1024xf32, #tpu.memory_space<hbm>>
    %dma_wait3A_281 = arith.constant 0 : i32
    %dma_wait3A_282 = arith.constant 0 : i32
    %dma_wait3A_283 = tpu.memref_slice %arg3[%dma_wait3A_281, %dma_wait3A_282] : memref<256x1024xf32, #tpu.memory_space<vmem_shared>> -> memref<256x1024xf32, #tpu.memory_space<vmem_shared>>
    tpu.wait_dma2 semaphore(%arg6 : memref<!tpu.dma_semaphore, #tpu.memory_space<semaphore_mem>>) src(%dma_wait3A_283 : memref<256x1024xf32, #tpu.memory_space<vmem_shared>>) dst(%dma_wait3A_280 : memref<256x1024xf32, #tpu.memory_space<hbm>>)
    %dma_wait3A_284 = arith.constant 2 : i32
    %dma_wait3A_285 = arith.constant 0 : i32
    %dma_wait3A_286 = arith.constant 0 : i32
    %dma_wait3A_287 = tpu.memref_slice %arg2[%dma_wait3A_284, %dma_wait3A_285, %dma_wait3A_286] : memref<4x8192x1024xf32, #tpu.memory_space<hbm>> -> memref<1x8192x1024xf32, #tpu.memory_space<hbm>>
    %dma_wait3A_288 = tpu.memref_squeeze %dma_wait3A_287 : memref<1x8192x1024xf32, #tpu.memory_space<hbm>> -> memref<8192x1024xf32, #tpu.memory_space<hbm>>
    %dma_wait3A_289 = arith.constant 0 : i32
    %dma_wait3A_290 = tpu.memref_slice %dma_wait3A_288[%add3A_241, %dma_wait3A_289] : memref<8192x1024xf32, #tpu.memory_space<hbm>> -> memref<256x1024xf32, #tpu.memory_space<hbm>>
    %dma_wait3A_291 = arith.constant 0 : i32
    %dma_wait3A_292 = arith.constant 0 : i32
    %dma_wait3A_293 = tpu.memref_slice %arg3[%dma_wait3A_291, %dma_wait3A_292] : memref<256x1024xf32, #tpu.memory_space<vmem_shared>> -> memref<256x1024xf32, #tpu.memory_space<vmem_shared>>
    tpu.wait_dma2 semaphore(%arg6 : memref<!tpu.dma_semaphore, #tpu.memory_space<semaphore_mem>>) src(%dma_wait3A_293 : memref<256x1024xf32, #tpu.memory_space<vmem_shared>>) dst(%dma_wait3A_290 : memref<256x1024xf32, #tpu.memory_space<hbm>>)
    %dma_wait3A_294 = arith.constant 3 : i32
    %dma_wait3A_295 = arith.constant 0 : i32
    %dma_wait3A_296 = arith.constant 0 : i32
    %dma_wait3A_297 = tpu.memref_slice %arg2[%dma_wait3A_294, %dma_wait3A_295, %dma_wait3A_296] : memref<4x8192x1024xf32, #tpu.memory_space<hbm>> -> memref<1x8192x1024xf32, #tpu.memory_space<hbm>>
    %dma_wait3A_298 = tpu.memref_squeeze %dma_wait3A_297 : memref<1x8192x1024xf32, #tpu.memory_space<hbm>> -> memref<8192x1024xf32, #tpu.memory_space<hbm>>
    %dma_wait3A_299 = arith.constant 0 : i32
    %dma_wait3A_300 = tpu.memref_slice %dma_wait3A_298[%add3A_253, %dma_wait3A_299] : memref<8192x1024xf32, #tpu.memory_space<hbm>> -> memref<256x1024xf32, #tpu.memory_space<hbm>>
    %dma_wait3A_301 = arith.constant 0 : i32
    %dma_wait3A_302 = arith.constant 0 : i32
    %dma_wait3A_303 = tpu.memref_slice %arg3[%dma_wait3A_301, %dma_wait3A_302] : memref<256x1024xf32, #tpu.memory_space<vmem_shared>> -> memref<256x1024xf32, #tpu.memory_space<vmem_shared>>
    tpu.wait_dma2 semaphore(%arg6 : memref<!tpu.dma_semaphore, #tpu.memory_space<semaphore_mem>>) src(%dma_wait3A_303 : memref<256x1024xf32, #tpu.memory_space<vmem_shared>>) dst(%dma_wait3A_300 : memref<256x1024xf32, #tpu.memory_space<hbm>>)
    %add3A_304 = arith.constant 1024 : i32
    %add3A_305 = arith.addi %select_n3A, %add3A_304 : i32
    %dma_start3A_306 = arith.constant 0 : i32
    %dma_start3A_307 = arith.constant 0 : i32
    %dma_start3A_308 = tpu.memref_slice %arg3[%dma_start3A_306, %dma_start3A_307] : memref<256x1024xf32, #tpu.memory_space<vmem_shared>> -> memref<256x1024xf32, #tpu.memory_space<vmem_shared>>
    %dma_start3A_309 = arith.constant 0 : i32
    %dma_start3A_310 = tpu.memref_slice %arg1[%add3A_305, %dma_start3A_309] : memref<8192x1024xf32, #tpu.memory_space<hbm>> -> memref<256x1024xf32, #tpu.memory_space<hbm>>
    tpu.enqueue_dma source(%dma_start3A_310 : memref<256x1024xf32, #tpu.memory_space<hbm>>) target(%dma_start3A_308 : memref<256x1024xf32, #tpu.memory_space<vmem_shared>>) target_semaphore(%arg5 : memref<!tpu.dma_semaphore, #tpu.memory_space<semaphore_mem>>)
    %dma_wait3A_311 = arith.constant 0 : i32
    %dma_wait3A_312 = arith.constant 0 : i32
    %dma_wait3A_313 = tpu.memref_slice %arg4[%dma_wait3A_311, %dma_wait3A_312] : memref<256x1024xf32, #tpu.memory_space<vmem_shared>> -> memref<256x1024xf32, #tpu.memory_space<vmem_shared>>
    %dma_wait3A_314 = arith.constant 0 : i32
    %dma_wait3A_315 = tpu.memref_slice %arg1[%add3A_205, %dma_wait3A_314] : memref<8192x1024xf32, #tpu.memory_space<hbm>> -> memref<256x1024xf32, #tpu.memory_space<hbm>>
    tpu.wait_dma2 semaphore(%arg5 : memref<!tpu.dma_semaphore, #tpu.memory_space<semaphore_mem>>) src(%dma_wait3A_315 : memref<256x1024xf32, #tpu.memory_space<hbm>>) dst(%dma_wait3A_313 : memref<256x1024xf32, #tpu.memory_space<vmem_shared>>)
    %add3A_316 = arith.constant 768 : i32
    %add3A_317 = arith.addi %select_n3A, %add3A_316 : i32
    %dma_start3A_318 = arith.constant 0 : i32
    %dma_start3A_319 = arith.constant 0 : i32
    %dma_start3A_320 = arith.constant 0 : i32
    %dma_start3A_321 = tpu.memref_slice %arg2[%dma_start3A_318, %dma_start3A_319, %dma_start3A_320] : memref<4x8192x1024xf32, #tpu.memory_space<hbm>> -> memref<1x8192x1024xf32, #tpu.memory_space<hbm>>
    %dma_start3A_322 = tpu.memref_squeeze %dma_start3A_321 : memref<1x8192x1024xf32, #tpu.memory_space<hbm>> -> memref<8192x1024xf32, #tpu.memory_space<hbm>>
    %dma_start3A_323 = arith.constant 0 : i32
    %dma_start3A_324 = tpu.memref_slice %dma_start3A_322[%add3A_317, %dma_start3A_323] : memref<8192x1024xf32, #tpu.memory_space<hbm>> -> memref<256x1024xf32, #tpu.memory_space<hbm>>
    %dma_start3A_325 = arith.constant 0 : i32
    %dma_start3A_326 = arith.constant 0 : i32
    %dma_start3A_327 = tpu.memref_slice %arg4[%dma_start3A_325, %dma_start3A_326] : memref<256x1024xf32, #tpu.memory_space<vmem_shared>> -> memref<256x1024xf32, #tpu.memory_space<vmem_shared>>
    tpu.enqueue_dma source(%dma_start3A_327 : memref<256x1024xf32, #tpu.memory_space<vmem_shared>>) target(%dma_start3A_324 : memref<256x1024xf32, #tpu.memory_space<hbm>>) target_semaphore(%arg6 : memref<!tpu.dma_semaphore, #tpu.memory_space<semaphore_mem>>)
    %add3A_328 = arith.constant 768 : i32
    %add3A_329 = arith.addi %select_n3A, %add3A_328 : i32
    %dma_start3A_330 = arith.constant 1 : i32
    %dma_start3A_331 = arith.constant 0 : i32
    %dma_start3A_332 = arith.constant 0 : i32
    %dma_start3A_333 = tpu.memref_slice %arg2[%dma_start3A_330, %dma_start3A_331, %dma_start3A_332] : memref<4x8192x1024xf32, #tpu.memory_space<hbm>> -> memref<1x8192x1024xf32, #tpu.memory_space<hbm>>
    %dma_start3A_334 = tpu.memref_squeeze %dma_start3A_333 : memref<1x8192x1024xf32, #tpu.memory_space<hbm>> -> memref<8192x1024xf32, #tpu.memory_space<hbm>>
    %dma_start3A_335 = arith.constant 0 : i32
    %dma_start3A_336 = tpu.memref_slice %dma_start3A_334[%add3A_329, %dma_start3A_335] : memref<8192x1024xf32, #tpu.memory_space<hbm>> -> memref<256x1024xf32, #tpu.memory_space<hbm>>
    %dma_start3A_337 = arith.constant 0 : i32
    %dma_start3A_338 = arith.constant 0 : i32
    %dma_start3A_339 = tpu.memref_slice %arg4[%dma_start3A_337, %dma_start3A_338] : memref<256x1024xf32, #tpu.memory_space<vmem_shared>> -> memref<256x1024xf32, #tpu.memory_space<vmem_shared>>
    tpu.enqueue_dma source(%dma_start3A_339 : memref<256x1024xf32, #tpu.memory_space<vmem_shared>>) target(%dma_start3A_336 : memref<256x1024xf32, #tpu.memory_space<hbm>>) target_semaphore(%arg6 : memref<!tpu.dma_semaphore, #tpu.memory_space<semaphore_mem>>)
    %add3A_340 = arith.constant 768 : i32
    %add3A_341 = arith.addi %select_n3A, %add3A_340 : i32
    %dma_start3A_342 = arith.constant 2 : i32
    %dma_start3A_343 = arith.constant 0 : i32
    %dma_start3A_344 = arith.constant 0 : i32
    %dma_start3A_345 = tpu.memref_slice %arg2[%dma_start3A_342, %dma_start3A_343, %dma_start3A_344] : memref<4x8192x1024xf32, #tpu.memory_space<hbm>> -> memref<1x8192x1024xf32, #tpu.memory_space<hbm>>
    %dma_start3A_346 = tpu.memref_squeeze %dma_start3A_345 : memref<1x8192x1024xf32, #tpu.memory_space<hbm>> -> memref<8192x1024xf32, #tpu.memory_space<hbm>>
    %dma_start3A_347 = arith.constant 0 : i32
    %dma_start3A_348 = tpu.memref_slice %dma_start3A_346[%add3A_341, %dma_start3A_347] : memref<8192x1024xf32, #tpu.memory_space<hbm>> -> memref<256x1024xf32, #tpu.memory_space<hbm>>
    %dma_start3A_349 = arith.constant 0 : i32
    %dma_start3A_350 = arith.constant 0 : i32
    %dma_start3A_351 = tpu.memref_slice %arg4[%dma_start3A_349, %dma_start3A_350] : memref<256x1024xf32, #tpu.memory_space<vmem_shared>> -> memref<256x1024xf32, #tpu.memory_space<vmem_shared>>
    tpu.enqueue_dma source(%dma_start3A_351 : memref<256x1024xf32, #tpu.memory_space<vmem_shared>>) target(%dma_start3A_348 : memref<256x1024xf32, #tpu.memory_space<hbm>>) target_semaphore(%arg6 : memref<!tpu.dma_semaphore, #tpu.memory_space<semaphore_mem>>)
    %add3A_352 = arith.constant 768 : i32
    %add3A_353 = arith.addi %select_n3A, %add3A_352 : i32
    %dma_start3A_354 = arith.constant 3 : i32
    %dma_start3A_355 = arith.constant 0 : i32
    %dma_start3A_356 = arith.constant 0 : i32
    %dma_start3A_357 = tpu.memref_slice %arg2[%dma_start3A_354, %dma_start3A_355, %dma_start3A_356] : memref<4x8192x1024xf32, #tpu.memory_space<hbm>> -> memref<1x8192x1024xf32, #tpu.memory_space<hbm>>
    %dma_start3A_358 = tpu.memref_squeeze %dma_start3A_357 : memref<1x8192x1024xf32, #tpu.memory_space<hbm>> -> memref<8192x1024xf32, #tpu.memory_space<hbm>>
    %dma_start3A_359 = arith.constant 0 : i32
    %dma_start3A_360 = tpu.memref_slice %dma_start3A_358[%add3A_353, %dma_start3A_359] : memref<8192x1024xf32, #tpu.memory_space<hbm>> -> memref<256x1024xf32, #tpu.memory_space<hbm>>
    %dma_start3A_361 = arith.constant 0 : i32
    %dma_start3A_362 = arith.constant 0 : i32
    %dma_start3A_363 = tpu.memref_slice %arg4[%dma_start3A_361, %dma_start3A_362] : memref<256x1024xf32, #tpu.memory_space<vmem_shared>> -> memref<256x1024xf32, #tpu.memory_space<vmem_shared>>
    tpu.enqueue_dma source(%dma_start3A_363 : memref<256x1024xf32, #tpu.memory_space<vmem_shared>>) target(%dma_start3A_360 : memref<256x1024xf32, #tpu.memory_space<hbm>>) target_semaphore(%arg6 : memref<!tpu.dma_semaphore, #tpu.memory_space<semaphore_mem>>)
    %dma_wait3A_364 = arith.constant 0 : i32
    %dma_wait3A_365 = arith.constant 0 : i32
    %dma_wait3A_366 = arith.constant 0 : i32
    %dma_wait3A_367 = tpu.memref_slice %arg2[%dma_wait3A_364, %dma_wait3A_365, %dma_wait3A_366] : memref<4x8192x1024xf32, #tpu.memory_space<hbm>> -> memref<1x8192x1024xf32, #tpu.memory_space<hbm>>
    %dma_wait3A_368 = tpu.memref_squeeze %dma_wait3A_367 : memref<1x8192x1024xf32, #tpu.memory_space<hbm>> -> memref<8192x1024xf32, #tpu.memory_space<hbm>>
    %dma_wait3A_369 = arith.constant 0 : i32
    %dma_wait3A_370 = tpu.memref_slice %dma_wait3A_368[%add3A_317, %dma_wait3A_369] : memref<8192x1024xf32, #tpu.memory_space<hbm>> -> memref<256x1024xf32, #tpu.memory_space<hbm>>
    %dma_wait3A_371 = arith.constant 0 : i32
    %dma_wait3A_372 = arith.constant 0 : i32
    %dma_wait3A_373 = tpu.memref_slice %arg4[%dma_wait3A_371, %dma_wait3A_372] : memref<256x1024xf32, #tpu.memory_space<vmem_shared>> -> memref<256x1024xf32, #tpu.memory_space<vmem_shared>>
    tpu.wait_dma2 semaphore(%arg6 : memref<!tpu.dma_semaphore, #tpu.memory_space<semaphore_mem>>) src(%dma_wait3A_373 : memref<256x1024xf32, #tpu.memory_space<vmem_shared>>) dst(%dma_wait3A_370 : memref<256x1024xf32, #tpu.memory_space<hbm>>)
    %dma_wait3A_374 = arith.constant 1 : i32
    %dma_wait3A_375 = arith.constant 0 : i32
    %dma_wait3A_376 = arith.constant 0 : i32
    %dma_wait3A_377 = tpu.memref_slice %arg2[%dma_wait3A_374, %dma_wait3A_375, %dma_wait3A_376] : memref<4x8192x1024xf32, #tpu.memory_space<hbm>> -> memref<1x8192x1024xf32, #tpu.memory_space<hbm>>
    %dma_wait3A_378 = tpu.memref_squeeze %dma_wait3A_377 : memref<1x8192x1024xf32, #tpu.memory_space<hbm>> -> memref<8192x1024xf32, #tpu.memory_space<hbm>>
    %dma_wait3A_379 = arith.constant 0 : i32
    %dma_wait3A_380 = tpu.memref_slice %dma_wait3A_378[%add3A_329, %dma_wait3A_379] : memref<8192x1024xf32, #tpu.memory_space<hbm>> -> memref<256x1024xf32, #tpu.memory_space<hbm>>
    %dma_wait3A_381 = arith.constant 0 : i32
    %dma_wait3A_382 = arith.constant 0 : i32
    %dma_wait3A_383 = tpu.memref_slice %arg4[%dma_wait3A_381, %dma_wait3A_382] : memref<256x1024xf32, #tpu.memory_space<vmem_shared>> -> memref<256x1024xf32, #tpu.memory_space<vmem_shared>>
    tpu.wait_dma2 semaphore(%arg6 : memref<!tpu.dma_semaphore, #tpu.memory_space<semaphore_mem>>) src(%dma_wait3A_383 : memref<256x1024xf32, #tpu.memory_space<vmem_shared>>) dst(%dma_wait3A_380 : memref<256x1024xf32, #tpu.memory_space<hbm>>)
    %dma_wait3A_384 = arith.constant 2 : i32
    %dma_wait3A_385 = arith.constant 0 : i32
    %dma_wait3A_386 = arith.constant 0 : i32
    %dma_wait3A_387 = tpu.memref_slice %arg2[%dma_wait3A_384, %dma_wait3A_385, %dma_wait3A_386] : memref<4x8192x1024xf32, #tpu.memory_space<hbm>> -> memref<1x8192x1024xf32, #tpu.memory_space<hbm>>
    %dma_wait3A_388 = tpu.memref_squeeze %dma_wait3A_387 : memref<1x8192x1024xf32, #tpu.memory_space<hbm>> -> memref<8192x1024xf32, #tpu.memory_space<hbm>>
    %dma_wait3A_389 = arith.constant 0 : i32
    %dma_wait3A_390 = tpu.memref_slice %dma_wait3A_388[%add3A_341, %dma_wait3A_389] : memref<8192x1024xf32, #tpu.memory_space<hbm>> -> memref<256x1024xf32, #tpu.memory_space<hbm>>
    %dma_wait3A_391 = arith.constant 0 : i32
    %dma_wait3A_392 = arith.constant 0 : i32
    %dma_wait3A_393 = tpu.memref_slice %arg4[%dma_wait3A_391, %dma_wait3A_392] : memref<256x1024xf32, #tpu.memory_space<vmem_shared>> -> memref<256x1024xf32, #tpu.memory_space<vmem_shared>>
    tpu.wait_dma2 semaphore(%arg6 : memref<!tpu.dma_semaphore, #tpu.memory_space<semaphore_mem>>) src(%dma_wait3A_393 : memref<256x1024xf32, #tpu.memory_space<vmem_shared>>) dst(%dma_wait3A_390 : memref<256x1024xf32, #tpu.memory_space<hbm>>)
    %dma_wait3A_394 = arith.constant 3 : i32
    %dma_wait3A_395 = arith.constant 0 : i32
    %dma_wait3A_396 = arith.constant 0 : i32
    %dma_wait3A_397 = tpu.memref_slice %arg2[%dma_wait3A_394, %dma_wait3A_395, %dma_wait3A_396] : memref<4x8192x1024xf32, #tpu.memory_space<hbm>> -> memref<1x8192x1024xf32, #tpu.memory_space<hbm>>
    %dma_wait3A_398 = tpu.memref_squeeze %dma_wait3A_397 : memref<1x8192x1024xf32, #tpu.memory_space<hbm>> -> memref<8192x1024xf32, #tpu.memory_space<hbm>>
    %dma_wait3A_399 = arith.constant 0 : i32
    %dma_wait3A_400 = tpu.memref_slice %dma_wait3A_398[%add3A_353, %dma_wait3A_399] : memref<8192x1024xf32, #tpu.memory_space<hbm>> -> memref<256x1024xf32, #tpu.memory_space<hbm>>
    %dma_wait3A_401 = arith.constant 0 : i32
    %dma_wait3A_402 = arith.constant 0 : i32
    %dma_wait3A_403 = tpu.memref_slice %arg4[%dma_wait3A_401, %dma_wait3A_402] : memref<256x1024xf32, #tpu.memory_space<vmem_shared>> -> memref<256x1024xf32, #tpu.memory_space<vmem_shared>>
    tpu.wait_dma2 semaphore(%arg6 : memref<!tpu.dma_semaphore, #tpu.memory_space<semaphore_mem>>) src(%dma_wait3A_403 : memref<256x1024xf32, #tpu.memory_space<vmem_shared>>) dst(%dma_wait3A_400 : memref<256x1024xf32, #tpu.memory_space<hbm>>)
    %add3A_404 = arith.constant 1280 : i32
    %add3A_405 = arith.addi %select_n3A, %add3A_404 : i32
    %dma_start3A_406 = arith.constant 0 : i32
    %dma_start3A_407 = arith.constant 0 : i32
    %dma_start3A_408 = tpu.memref_slice %arg4[%dma_start3A_406, %dma_start3A_407] : memref<256x1024xf32, #tpu.memory_space<vmem_shared>> -> memref<256x1024xf32, #tpu.memory_space<vmem_shared>>
    %dma_start3A_409 = arith.constant 0 : i32
    %dma_start3A_410 = tpu.memref_slice %arg1[%add3A_405, %dma_start3A_409] : memref<8192x1024xf32, #tpu.memory_space<hbm>> -> memref<256x1024xf32, #tpu.memory_space<hbm>>
    tpu.enqueue_dma source(%dma_start3A_410 : memref<256x1024xf32, #tpu.memory_space<hbm>>) target(%dma_start3A_408 : memref<256x1024xf32, #tpu.memory_space<vmem_shared>>) target_semaphore(%arg5 : memref<!tpu.dma_semaphore, #tpu.memory_space<semaphore_mem>>)
    %dma_wait3A_411 = arith.constant 0 : i32
    %dma_wait3A_412 = arith.constant 0 : i32
    %dma_wait3A_413 = tpu.memref_slice %arg3[%dma_wait3A_411, %dma_wait3A_412] : memref<256x1024xf32, #tpu.memory_space<vmem_shared>> -> memref<256x1024xf32, #tpu.memory_space<vmem_shared>>
    %dma_wait3A_414 = arith.constant 0 : i32
    %dma_wait3A_415 = tpu.memref_slice %arg1[%add3A_305, %dma_wait3A_414] : memref<8192x1024xf32, #tpu.memory_space<hbm>> -> memref<256x1024xf32, #tpu.memory_space<hbm>>
    tpu.wait_dma2 semaphore(%arg5 : memref<!tpu.dma_semaphore, #tpu.memory_space<semaphore_mem>>) src(%dma_wait3A_415 : memref<256x1024xf32, #tpu.memory_space<hbm>>) dst(%dma_wait3A_413 : memref<256x1024xf32, #tpu.memory_space<vmem_shared>>)
    %add3A_416 = arith.constant 1024 : i32
    %add3A_417 = arith.addi %select_n3A, %add3A_416 : i32
    %dma_start3A_418 = arith.constant 0 : i32
    %dma_start3A_419 = arith.constant 0 : i32
    %dma_start3A_420 = arith.constant 0 : i32
    %dma_start3A_421 = tpu.memref_slice %arg2[%dma_start3A_418, %dma_start3A_419, %dma_start3A_420] : memref<4x8192x1024xf32, #tpu.memory_space<hbm>> -> memref<1x8192x1024xf32, #tpu.memory_space<hbm>>
    %dma_start3A_422 = tpu.memref_squeeze %dma_start3A_421 : memref<1x8192x1024xf32, #tpu.memory_space<hbm>> -> memref<8192x1024xf32, #tpu.memory_space<hbm>>
    %dma_start3A_423 = arith.constant 0 : i32
    %dma_start3A_424 = tpu.memref_slice %dma_start3A_422[%add3A_417, %dma_start3A_423] : memref<8192x1024xf32, #tpu.memory_space<hbm>> -> memref<256x1024xf32, #tpu.memory_space<hbm>>
    %dma_start3A_425 = arith.constant 0 : i32
    %dma_start3A_426 = arith.constant 0 : i32
    %dma_start3A_427 = tpu.memref_slice %arg3[%dma_start3A_425, %dma_start3A_426] : memref<256x1024xf32, #tpu.memory_space<vmem_shared>> -> memref<256x1024xf32, #tpu.memory_space<vmem_shared>>
    tpu.enqueue_dma source(%dma_start3A_427 : memref<256x1024xf32, #tpu.memory_space<vmem_shared>>) target(%dma_start3A_424 : memref<256x1024xf32, #tpu.memory_space<hbm>>) target_semaphore(%arg6 : memref<!tpu.dma_semaphore, #tpu.memory_space<semaphore_mem>>)
    %add3A_428 = arith.constant 1024 : i32
    %add3A_429 = arith.addi %select_n3A, %add3A_428 : i32
    %dma_start3A_430 = arith.constant 1 : i32
    %dma_start3A_431 = arith.constant 0 : i32
    %dma_start3A_432 = arith.constant 0 : i32
    %dma_start3A_433 = tpu.memref_slice %arg2[%dma_start3A_430, %dma_start3A_431, %dma_start3A_432] : memref<4x8192x1024xf32, #tpu.memory_space<hbm>> -> memref<1x8192x1024xf32, #tpu.memory_space<hbm>>
    %dma_start3A_434 = tpu.memref_squeeze %dma_start3A_433 : memref<1x8192x1024xf32, #tpu.memory_space<hbm>> -> memref<8192x1024xf32, #tpu.memory_space<hbm>>
    %dma_start3A_435 = arith.constant 0 : i32
    %dma_start3A_436 = tpu.memref_slice %dma_start3A_434[%add3A_429, %dma_start3A_435] : memref<8192x1024xf32, #tpu.memory_space<hbm>> -> memref<256x1024xf32, #tpu.memory_space<hbm>>
    %dma_start3A_437 = arith.constant 0 : i32
    %dma_start3A_438 = arith.constant 0 : i32
    %dma_start3A_439 = tpu.memref_slice %arg3[%dma_start3A_437, %dma_start3A_438] : memref<256x1024xf32, #tpu.memory_space<vmem_shared>> -> memref<256x1024xf32, #tpu.memory_space<vmem_shared>>
    tpu.enqueue_dma source(%dma_start3A_439 : memref<256x1024xf32, #tpu.memory_space<vmem_shared>>) target(%dma_start3A_436 : memref<256x1024xf32, #tpu.memory_space<hbm>>) target_semaphore(%arg6 : memref<!tpu.dma_semaphore, #tpu.memory_space<semaphore_mem>>)
    %add3A_440 = arith.constant 1024 : i32
    %add3A_441 = arith.addi %select_n3A, %add3A_440 : i32
    %dma_start3A_442 = arith.constant 2 : i32
    %dma_start3A_443 = arith.constant 0 : i32
    %dma_start3A_444 = arith.constant 0 : i32
    %dma_start3A_445 = tpu.memref_slice %arg2[%dma_start3A_442, %dma_start3A_443, %dma_start3A_444] : memref<4x8192x1024xf32, #tpu.memory_space<hbm>> -> memref<1x8192x1024xf32, #tpu.memory_space<hbm>>
    %dma_start3A_446 = tpu.memref_squeeze %dma_start3A_445 : memref<1x8192x1024xf32, #tpu.memory_space<hbm>> -> memref<8192x1024xf32, #tpu.memory_space<hbm>>
    %dma_start3A_447 = arith.constant 0 : i32
    %dma_start3A_448 = tpu.memref_slice %dma_start3A_446[%add3A_441, %dma_start3A_447] : memref<8192x1024xf32, #tpu.memory_space<hbm>> -> memref<256x1024xf32, #tpu.memory_space<hbm>>
    %dma_start3A_449 = arith.constant 0 : i32
    %dma_start3A_450 = arith.constant 0 : i32
    %dma_start3A_451 = tpu.memref_slice %arg3[%dma_start3A_449, %dma_start3A_450] : memref<256x1024xf32, #tpu.memory_space<vmem_shared>> -> memref<256x1024xf32, #tpu.memory_space<vmem_shared>>
    tpu.enqueue_dma source(%dma_start3A_451 : memref<256x1024xf32, #tpu.memory_space<vmem_shared>>) target(%dma_start3A_448 : memref<256x1024xf32, #tpu.memory_space<hbm>>) target_semaphore(%arg6 : memref<!tpu.dma_semaphore, #tpu.memory_space<semaphore_mem>>)
    %add3A_452 = arith.constant 1024 : i32
    %add3A_453 = arith.addi %select_n3A, %add3A_452 : i32
    %dma_start3A_454 = arith.constant 3 : i32
    %dma_start3A_455 = arith.constant 0 : i32
    %dma_start3A_456 = arith.constant 0 : i32
    %dma_start3A_457 = tpu.memref_slice %arg2[%dma_start3A_454, %dma_start3A_455, %dma_start3A_456] : memref<4x8192x1024xf32, #tpu.memory_space<hbm>> -> memref<1x8192x1024xf32, #tpu.memory_space<hbm>>
    %dma_start3A_458 = tpu.memref_squeeze %dma_start3A_457 : memref<1x8192x1024xf32, #tpu.memory_space<hbm>> -> memref<8192x1024xf32, #tpu.memory_space<hbm>>
    %dma_start3A_459 = arith.constant 0 : i32
    %dma_start3A_460 = tpu.memref_slice %dma_start3A_458[%add3A_453, %dma_start3A_459] : memref<8192x1024xf32, #tpu.memory_space<hbm>> -> memref<256x1024xf32, #tpu.memory_space<hbm>>
    %dma_start3A_461 = arith.constant 0 : i32
    %dma_start3A_462 = arith.constant 0 : i32
    %dma_start3A_463 = tpu.memref_slice %arg3[%dma_start3A_461, %dma_start3A_462] : memref<256x1024xf32, #tpu.memory_space<vmem_shared>> -> memref<256x1024xf32, #tpu.memory_space<vmem_shared>>
    tpu.enqueue_dma source(%dma_start3A_463 : memref<256x1024xf32, #tpu.memory_space<vmem_shared>>) target(%dma_start3A_460 : memref<256x1024xf32, #tpu.memory_space<hbm>>) target_semaphore(%arg6 : memref<!tpu.dma_semaphore, #tpu.memory_space<semaphore_mem>>)
    %dma_wait3A_464 = arith.constant 0 : i32
    %dma_wait3A_465 = arith.constant 0 : i32
    %dma_wait3A_466 = tpu.memref_slice %arg4[%dma_wait3A_464, %dma_wait3A_465] : memref<256x1024xf32, #tpu.memory_space<vmem_shared>> -> memref<256x1024xf32, #tpu.memory_space<vmem_shared>>
    %dma_wait3A_467 = arith.constant 0 : i32
    %dma_wait3A_468 = tpu.memref_slice %arg1[%add3A_405, %dma_wait3A_467] : memref<8192x1024xf32, #tpu.memory_space<hbm>> -> memref<256x1024xf32, #tpu.memory_space<hbm>>
    tpu.wait_dma2 semaphore(%arg5 : memref<!tpu.dma_semaphore, #tpu.memory_space<semaphore_mem>>) src(%dma_wait3A_468 : memref<256x1024xf32, #tpu.memory_space<hbm>>) dst(%dma_wait3A_466 : memref<256x1024xf32, #tpu.memory_space<vmem_shared>>)
    %add3A_469 = arith.constant 1280 : i32
    %add3A_470 = arith.addi %select_n3A, %add3A_469 : i32
    %dma_start3A_471 = arith.constant 0 : i32
    %dma_start3A_472 = arith.constant 0 : i32
    %dma_start3A_473 = arith.constant 0 : i32
    %dma_start3A_474 = tpu.memref_slice %arg2[%dma_start3A_471, %dma_start3A_472, %dma_start3A_473] : memref<4x8192x1024xf32, #tpu.memory_space<hbm>> -> memref<1x8192x1024xf32, #tpu.memory_space<hbm>>
    %dma_start3A_475 = tpu.memref_squeeze %dma_start3A_474 : memref<1x8192x1024xf32, #tpu.memory_space<hbm>> -> memref<8192x1024xf32, #tpu.memory_space<hbm>>
    %dma_start3A_476 = arith.constant 0 : i32
    %dma_start3A_477 = tpu.memref_slice %dma_start3A_475[%add3A_470, %dma_start3A_476] : memref<8192x1024xf32, #tpu.memory_space<hbm>> -> memref<256x1024xf32, #tpu.memory_space<hbm>>
    %dma_start3A_478 = arith.constant 0 : i32
    %dma_start3A_479 = arith.constant 0 : i32
    %dma_start3A_480 = tpu.memref_slice %arg4[%dma_start3A_478, %dma_start3A_479] : memref<256x1024xf32, #tpu.memory_space<vmem_shared>> -> memref<256x1024xf32, #tpu.memory_space<vmem_shared>>
    tpu.enqueue_dma source(%dma_start3A_480 : memref<256x1024xf32, #tpu.memory_space<vmem_shared>>) target(%dma_start3A_477 : memref<256x1024xf32, #tpu.memory_space<hbm>>) target_semaphore(%arg6 : memref<!tpu.dma_semaphore, #tpu.memory_space<semaphore_mem>>)
    %add3A_481 = arith.constant 1280 : i32
    %add3A_482 = arith.addi %select_n3A, %add3A_481 : i32
    %dma_start3A_483 = arith.constant 1 : i32
    %dma_start3A_484 = arith.constant 0 : i32
    %dma_start3A_485 = arith.constant 0 : i32
    %dma_start3A_486 = tpu.memref_slice %arg2[%dma_start3A_483, %dma_start3A_484, %dma_start3A_485] : memref<4x8192x1024xf32, #tpu.memory_space<hbm>> -> memref<1x8192x1024xf32, #tpu.memory_space<hbm>>
    %dma_start3A_487 = tpu.memref_squeeze %dma_start3A_486 : memref<1x8192x1024xf32, #tpu.memory_space<hbm>> -> memref<8192x1024xf32, #tpu.memory_space<hbm>>
    %dma_start3A_488 = arith.constant 0 : i32
    %dma_start3A_489 = tpu.memref_slice %dma_start3A_487[%add3A_482, %dma_start3A_488] : memref<8192x1024xf32, #tpu.memory_space<hbm>> -> memref<256x1024xf32, #tpu.memory_space<hbm>>
    %dma_start3A_490 = arith.constant 0 : i32
    %dma_start3A_491 = arith.constant 0 : i32
    %dma_start3A_492 = tpu.memref_slice %arg4[%dma_start3A_490, %dma_start3A_491] : memref<256x1024xf32, #tpu.memory_space<vmem_shared>> -> memref<256x1024xf32, #tpu.memory_space<vmem_shared>>
    tpu.enqueue_dma source(%dma_start3A_492 : memref<256x1024xf32, #tpu.memory_space<vmem_shared>>) target(%dma_start3A_489 : memref<256x1024xf32, #tpu.memory_space<hbm>>) target_semaphore(%arg6 : memref<!tpu.dma_semaphore, #tpu.memory_space<semaphore_mem>>)
    %add3A_493 = arith.constant 1280 : i32
    %add3A_494 = arith.addi %select_n3A, %add3A_493 : i32
    %dma_start3A_495 = arith.constant 2 : i32
    %dma_start3A_496 = arith.constant 0 : i32
    %dma_start3A_497 = arith.constant 0 : i32
    %dma_start3A_498 = tpu.memref_slice %arg2[%dma_start3A_495, %dma_start3A_496, %dma_start3A_497] : memref<4x8192x1024xf32, #tpu.memory_space<hbm>> -> memref<1x8192x1024xf32, #tpu.memory_space<hbm>>
    %dma_start3A_499 = tpu.memref_squeeze %dma_start3A_498 : memref<1x8192x1024xf32, #tpu.memory_space<hbm>> -> memref<8192x1024xf32, #tpu.memory_space<hbm>>
    %dma_start3A_500 = arith.constant 0 : i32
    %dma_start3A_501 = tpu.memref_slice %dma_start3A_499[%add3A_494, %dma_start3A_500] : memref<8192x1024xf32, #tpu.memory_space<hbm>> -> memref<256x1024xf32, #tpu.memory_space<hbm>>
    %dma_start3A_502 = arith.constant 0 : i32
    %dma_start3A_503 = arith.constant 0 : i32
    %dma_start3A_504 = tpu.memref_slice %arg4[%dma_start3A_502, %dma_start3A_503] : memref<256x1024xf32, #tpu.memory_space<vmem_shared>> -> memref<256x1024xf32, #tpu.memory_space<vmem_shared>>
    tpu.enqueue_dma source(%dma_start3A_504 : memref<256x1024xf32, #tpu.memory_space<vmem_shared>>) target(%dma_start3A_501 : memref<256x1024xf32, #tpu.memory_space<hbm>>) target_semaphore(%arg6 : memref<!tpu.dma_semaphore, #tpu.memory_space<semaphore_mem>>)
    %add3A_505 = arith.constant 1280 : i32
    %add3A_506 = arith.addi %select_n3A, %add3A_505 : i32
    %dma_start3A_507 = arith.constant 3 : i32
    %dma_start3A_508 = arith.constant 0 : i32
    %dma_start3A_509 = arith.constant 0 : i32
    %dma_start3A_510 = tpu.memref_slice %arg2[%dma_start3A_507, %dma_start3A_508, %dma_start3A_509] : memref<4x8192x1024xf32, #tpu.memory_space<hbm>> -> memref<1x8192x1024xf32, #tpu.memory_space<hbm>>
    %dma_start3A_511 = tpu.memref_squeeze %dma_start3A_510 : memref<1x8192x1024xf32, #tpu.memory_space<hbm>> -> memref<8192x1024xf32, #tpu.memory_space<hbm>>
    %dma_start3A_512 = arith.constant 0 : i32
    %dma_start3A_513 = tpu.memref_slice %dma_start3A_511[%add3A_506, %dma_start3A_512] : memref<8192x1024xf32, #tpu.memory_space<hbm>> -> memref<256x1024xf32, #tpu.memory_space<hbm>>
    %dma_start3A_514 = arith.constant 0 : i32
    %dma_start3A_515 = arith.constant 0 : i32
    %dma_start3A_516 = tpu.memref_slice %arg4[%dma_start3A_514, %dma_start3A_515] : memref<256x1024xf32, #tpu.memory_space<vmem_shared>> -> memref<256x1024xf32, #tpu.memory_space<vmem_shared>>
    tpu.enqueue_dma source(%dma_start3A_516 : memref<256x1024xf32, #tpu.memory_space<vmem_shared>>) target(%dma_start3A_513 : memref<256x1024xf32, #tpu.memory_space<hbm>>) target_semaphore(%arg6 : memref<!tpu.dma_semaphore, #tpu.memory_space<semaphore_mem>>)
    %dma_wait3A_517 = arith.constant 0 : i32
    %dma_wait3A_518 = arith.constant 0 : i32
    %dma_wait3A_519 = arith.constant 0 : i32
    %dma_wait3A_520 = tpu.memref_slice %arg2[%dma_wait3A_517, %dma_wait3A_518, %dma_wait3A_519] : memref<4x8192x1024xf32, #tpu.memory_space<hbm>> -> memref<1x8192x1024xf32, #tpu.memory_space<hbm>>
    %dma_wait3A_521 = tpu.memref_squeeze %dma_wait3A_520 : memref<1x8192x1024xf32, #tpu.memory_space<hbm>> -> memref<8192x1024xf32, #tpu.memory_space<hbm>>
    %dma_wait3A_522 = arith.constant 0 : i32
    %dma_wait3A_523 = tpu.memref_slice %dma_wait3A_521[%add3A_417, %dma_wait3A_522] : memref<8192x1024xf32, #tpu.memory_space<hbm>> -> memref<256x1024xf32, #tpu.memory_space<hbm>>
    %dma_wait3A_524 = arith.constant 0 : i32
    %dma_wait3A_525 = arith.constant 0 : i32
    %dma_wait3A_526 = tpu.memref_slice %arg3[%dma_wait3A_524, %dma_wait3A_525] : memref<256x1024xf32, #tpu.memory_space<vmem_shared>> -> memref<256x1024xf32, #tpu.memory_space<vmem_shared>>
    tpu.wait_dma2 semaphore(%arg6 : memref<!tpu.dma_semaphore, #tpu.memory_space<semaphore_mem>>) src(%dma_wait3A_526 : memref<256x1024xf32, #tpu.memory_space<vmem_shared>>) dst(%dma_wait3A_523 : memref<256x1024xf32, #tpu.memory_space<hbm>>)
    %dma_wait3A_527 = arith.constant 1 : i32
    %dma_wait3A_528 = arith.constant 0 : i32
    %dma_wait3A_529 = arith.constant 0 : i32
    %dma_wait3A_530 = tpu.memref_slice %arg2[%dma_wait3A_527, %dma_wait3A_528, %dma_wait3A_529] : memref<4x8192x1024xf32, #tpu.memory_space<hbm>> -> memref<1x8192x1024xf32, #tpu.memory_space<hbm>>
    %dma_wait3A_531 = tpu.memref_squeeze %dma_wait3A_530 : memref<1x8192x1024xf32, #tpu.memory_space<hbm>> -> memref<8192x1024xf32, #tpu.memory_space<hbm>>
    %dma_wait3A_532 = arith.constant 0 : i32
    %dma_wait3A_533 = tpu.memref_slice %dma_wait3A_531[%add3A_429, %dma_wait3A_532] : memref<8192x1024xf32, #tpu.memory_space<hbm>> -> memref<256x1024xf32, #tpu.memory_space<hbm>>
    %dma_wait3A_534 = arith.constant 0 : i32
    %dma_wait3A_535 = arith.constant 0 : i32
    %dma_wait3A_536 = tpu.memref_slice %arg3[%dma_wait3A_534, %dma_wait3A_535] : memref<256x1024xf32, #tpu.memory_space<vmem_shared>> -> memref<256x1024xf32, #tpu.memory_space<vmem_shared>>
    tpu.wait_dma2 semaphore(%arg6 : memref<!tpu.dma_semaphore, #tpu.memory_space<semaphore_mem>>) src(%dma_wait3A_536 : memref<256x1024xf32, #tpu.memory_space<vmem_shared>>) dst(%dma_wait3A_533 : memref<256x1024xf32, #tpu.memory_space<hbm>>)
    %dma_wait3A_537 = arith.constant 2 : i32
    %dma_wait3A_538 = arith.constant 0 : i32
    %dma_wait3A_539 = arith.constant 0 : i32
    %dma_wait3A_540 = tpu.memref_slice %arg2[%dma_wait3A_537, %dma_wait3A_538, %dma_wait3A_539] : memref<4x8192x1024xf32, #tpu.memory_space<hbm>> -> memref<1x8192x1024xf32, #tpu.memory_space<hbm>>
    %dma_wait3A_541 = tpu.memref_squeeze %dma_wait3A_540 : memref<1x8192x1024xf32, #tpu.memory_space<hbm>> -> memref<8192x1024xf32, #tpu.memory_space<hbm>>
    %dma_wait3A_542 = arith.constant 0 : i32
    %dma_wait3A_543 = tpu.memref_slice %dma_wait3A_541[%add3A_441, %dma_wait3A_542] : memref<8192x1024xf32, #tpu.memory_space<hbm>> -> memref<256x1024xf32, #tpu.memory_space<hbm>>
    %dma_wait3A_544 = arith.constant 0 : i32
    %dma_wait3A_545 = arith.constant 0 : i32
    %dma_wait3A_546 = tpu.memref_slice %arg3[%dma_wait3A_544, %dma_wait3A_545] : memref<256x1024xf32, #tpu.memory_space<vmem_shared>> -> memref<256x1024xf32, #tpu.memory_space<vmem_shared>>
    tpu.wait_dma2 semaphore(%arg6 : memref<!tpu.dma_semaphore, #tpu.memory_space<semaphore_mem>>) src(%dma_wait3A_546 : memref<256x1024xf32, #tpu.memory_space<vmem_shared>>) dst(%dma_wait3A_543 : memref<256x1024xf32, #tpu.memory_space<hbm>>)
    %dma_wait3A_547 = arith.constant 3 : i32
    %dma_wait3A_548 = arith.constant 0 : i32
    %dma_wait3A_549 = arith.constant 0 : i32
    %dma_wait3A_550 = tpu.memref_slice %arg2[%dma_wait3A_547, %dma_wait3A_548, %dma_wait3A_549] : memref<4x8192x1024xf32, #tpu.memory_space<hbm>> -> memref<1x8192x1024xf32, #tpu.memory_space<hbm>>
    %dma_wait3A_551 = tpu.memref_squeeze %dma_wait3A_550 : memref<1x8192x1024xf32, #tpu.memory_space<hbm>> -> memref<8192x1024xf32, #tpu.memory_space<hbm>>
    %dma_wait3A_552 = arith.constant 0 : i32
    %dma_wait3A_553 = tpu.memref_slice %dma_wait3A_551[%add3A_453, %dma_wait3A_552] : memref<8192x1024xf32, #tpu.memory_space<hbm>> -> memref<256x1024xf32, #tpu.memory_space<hbm>>
    %dma_wait3A_554 = arith.constant 0 : i32
    %dma_wait3A_555 = arith.constant 0 : i32
    %dma_wait3A_556 = tpu.memref_slice %arg3[%dma_wait3A_554, %dma_wait3A_555] : memref<256x1024xf32, #tpu.memory_space<vmem_shared>> -> memref<256x1024xf32, #tpu.memory_space<vmem_shared>>
    tpu.wait_dma2 semaphore(%arg6 : memref<!tpu.dma_semaphore, #tpu.memory_space<semaphore_mem>>) src(%dma_wait3A_556 : memref<256x1024xf32, #tpu.memory_space<vmem_shared>>) dst(%dma_wait3A_553 : memref<256x1024xf32, #tpu.memory_space<hbm>>)
    %dma_wait3A_557 = arith.constant 0 : i32
    %dma_wait3A_558 = arith.constant 0 : i32
    %dma_wait3A_559 = arith.constant 0 : i32
    %dma_wait3A_560 = tpu.memref_slice %arg2[%dma_wait3A_557, %dma_wait3A_558, %dma_wait3A_559] : memref<4x8192x1024xf32, #tpu.memory_space<hbm>> -> memref<1x8192x1024xf32, #tpu.memory_space<hbm>>
    %dma_wait3A_561 = tpu.memref_squeeze %dma_wait3A_560 : memref<1x8192x1024xf32, #tpu.memory_space<hbm>> -> memref<8192x1024xf32, #tpu.memory_space<hbm>>
    %dma_wait3A_562 = arith.constant 0 : i32
    %dma_wait3A_563 = tpu.memref_slice %dma_wait3A_561[%add3A_470, %dma_wait3A_562] : memref<8192x1024xf32, #tpu.memory_space<hbm>> -> memref<256x1024xf32, #tpu.memory_space<hbm>>
    %dma_wait3A_564 = arith.constant 0 : i32
    %dma_wait3A_565 = arith.constant 0 : i32
    %dma_wait3A_566 = tpu.memref_slice %arg4[%dma_wait3A_564, %dma_wait3A_565] : memref<256x1024xf32, #tpu.memory_space<vmem_shared>> -> memref<256x1024xf32, #tpu.memory_space<vmem_shared>>
    tpu.wait_dma2 semaphore(%arg6 : memref<!tpu.dma_semaphore, #tpu.memory_space<semaphore_mem>>) src(%dma_wait3A_566 : memref<256x1024xf32, #tpu.memory_space<vmem_shared>>) dst(%dma_wait3A_563 : memref<256x1024xf32, #tpu.memory_space<hbm>>)
    %dma_wait3A_567 = arith.constant 1 : i32
    %dma_wait3A_568 = arith.constant 0 : i32
    %dma_wait3A_569 = arith.constant 0 : i32
    %dma_wait3A_570 = tpu.memref_slice %arg2[%dma_wait3A_567, %dma_wait3A_568, %dma_wait3A_569] : memref<4x8192x1024xf32, #tpu.memory_space<hbm>> -> memref<1x8192x1024xf32, #tpu.memory_space<hbm>>
    %dma_wait3A_571 = tpu.memref_squeeze %dma_wait3A_570 : memref<1x8192x1024xf32, #tpu.memory_space<hbm>> -> memref<8192x1024xf32, #tpu.memory_space<hbm>>
    %dma_wait3A_572 = arith.constant 0 : i32
    %dma_wait3A_573 = tpu.memref_slice %dma_wait3A_571[%add3A_482, %dma_wait3A_572] : memref<8192x1024xf32, #tpu.memory_space<hbm>> -> memref<256x1024xf32, #tpu.memory_space<hbm>>
    %dma_wait3A_574 = arith.constant 0 : i32
    %dma_wait3A_575 = arith.constant 0 : i32
    %dma_wait3A_576 = tpu.memref_slice %arg4[%dma_wait3A_574, %dma_wait3A_575] : memref<256x1024xf32, #tpu.memory_space<vmem_shared>> -> memref<256x1024xf32, #tpu.memory_space<vmem_shared>>
    tpu.wait_dma2 semaphore(%arg6 : memref<!tpu.dma_semaphore, #tpu.memory_space<semaphore_mem>>) src(%dma_wait3A_576 : memref<256x1024xf32, #tpu.memory_space<vmem_shared>>) dst(%dma_wait3A_573 : memref<256x1024xf32, #tpu.memory_space<hbm>>)
    %dma_wait3A_577 = arith.constant 2 : i32
    %dma_wait3A_578 = arith.constant 0 : i32
    %dma_wait3A_579 = arith.constant 0 : i32
    %dma_wait3A_580 = tpu.memref_slice %arg2[%dma_wait3A_577, %dma_wait3A_578, %dma_wait3A_579] : memref<4x8192x1024xf32, #tpu.memory_space<hbm>> -> memref<1x8192x1024xf32, #tpu.memory_space<hbm>>
    %dma_wait3A_581 = tpu.memref_squeeze %dma_wait3A_580 : memref<1x8192x1024xf32, #tpu.memory_space<hbm>> -> memref<8192x1024xf32, #tpu.memory_space<hbm>>
    %dma_wait3A_582 = arith.constant 0 : i32
    %dma_wait3A_583 = tpu.memref_slice %dma_wait3A_581[%add3A_494, %dma_wait3A_582] : memref<8192x1024xf32, #tpu.memory_space<hbm>> -> memref<256x1024xf32, #tpu.memory_space<hbm>>
    %dma_wait3A_584 = arith.constant 0 : i32
    %dma_wait3A_585 = arith.constant 0 : i32
    %dma_wait3A_586 = tpu.memref_slice %arg4[%dma_wait3A_584, %dma_wait3A_585] : memref<256x1024xf32, #tpu.memory_space<vmem_shared>> -> memref<256x1024xf32, #tpu.memory_space<vmem_shared>>
    tpu.wait_dma2 semaphore(%arg6 : memref<!tpu.dma_semaphore, #tpu.memory_space<semaphore_mem>>) src(%dma_wait3A_586 : memref<256x1024xf32, #tpu.memory_space<vmem_shared>>) dst(%dma_wait3A_583 : memref<256x1024xf32, #tpu.memory_space<hbm>>)
    %dma_wait3A_587 = arith.constant 3 : i32
    %dma_wait3A_588 = arith.constant 0 : i32
    %dma_wait3A_589 = arith.constant 0 : i32
    %dma_wait3A_590 = tpu.memref_slice %arg2[%dma_wait3A_587, %dma_wait3A_588, %dma_wait3A_589] : memref<4x8192x1024xf32, #tpu.memory_space<hbm>> -> memref<1x8192x1024xf32, #tpu.memory_space<hbm>>
    %dma_wait3A_591 = tpu.memref_squeeze %dma_wait3A_590 : memref<1x8192x1024xf32, #tpu.memory_space<hbm>> -> memref<8192x1024xf32, #tpu.memory_space<hbm>>
    %dma_wait3A_592 = arith.constant 0 : i32
    %dma_wait3A_593 = tpu.memref_slice %dma_wait3A_591[%add3A_506, %dma_wait3A_592] : memref<8192x1024xf32, #tpu.memory_space<hbm>> -> memref<256x1024xf32, #tpu.memory_space<hbm>>
    %dma_wait3A_594 = arith.constant 0 : i32
    %dma_wait3A_595 = arith.constant 0 : i32
    %dma_wait3A_596 = tpu.memref_slice %arg4[%dma_wait3A_594, %dma_wait3A_595] : memref<256x1024xf32, #tpu.memory_space<vmem_shared>> -> memref<256x1024xf32, #tpu.memory_space<vmem_shared>>
    tpu.wait_dma2 semaphore(%arg6 : memref<!tpu.dma_semaphore, #tpu.memory_space<semaphore_mem>>) src(%dma_wait3A_596 : memref<256x1024xf32, #tpu.memory_space<vmem_shared>>) dst(%dma_wait3A_593 : memref<256x1024xf32, #tpu.memory_space<hbm>>)
    return
  }
  func.func @tec_body(%arg0: i32, %arg1: i32, %arg2: memref<8192x1024xf32, #tpu.memory_space<hbm>>, %arg3: memref<4x8192x1024xf32, #tpu.memory_space<hbm>>, %arg4: memref<256x1024xf32, #tpu.memory_space<vmem_shared>>, %arg5: memref<256x1024xf32, #tpu.memory_space<vmem_shared>>, %arg6: memref<!tpu.dma_semaphore, #tpu.memory_space<semaphore_mem, sc_scalar_subcore>>, %arg7: memref<!tpu.dma_semaphore, #tpu.memory_space<semaphore_mem, sc_scalar_subcore>>, %arg8: memref<48x1024xf32, #tpu.memory_space<vmem>>, %arg9: memref<48x1024xf32, #tpu.memory_space<vmem>>, %arg10: memref<!tpu.dma_semaphore, #tpu.memory_space<semaphore_mem>>, %arg11: memref<!tpu.dma_semaphore, #tpu.memory_space<semaphore_mem>>) attributes {dimension_semantics = [#tpu.dimension_semantics<core_parallel>, #tpu.dimension_semantics<subcore_parallel>], iteration_bounds = array<i64: 2, 16>, scalar_prefetch = 0 : i64, scratch_operands = 8 : i64, tpu.core_type = #tpu.core_type<sc_vector_subcore>, window_params = [{transform_indices = #map2}, {transform_indices = #map3}]} {
    %mul3A = arith.constant 2 : i32
    %mul3A_0 = arith.muli %arg1, %mul3A : i32
    %add3A = arith.addi %mul3A_0, %arg0 : i32
    %mul3A_1 = arith.constant 160 : i32
    %mul3A_2 = arith.muli %add3A, %mul3A_1 : i32
    %add3A_3 = arith.constant 3072 : i32
    %add3A_4 = arith.addi %add3A_3, %mul3A_2 : i32
    %dma_start3A = arith.constant 0 : i32
    %dma_start3A_5 = arith.constant 0 : i32
    %dma_start3A_6 = tpu.memref_slice %arg8[%dma_start3A, %dma_start3A_5] : memref<48x1024xf32, #tpu.memory_space<vmem>> -> memref<48x1024xf32, #tpu.memory_space<vmem>>
    %dma_start3A_7 = arith.constant 0 : i32
    %dma_start3A_8 = tpu.memref_slice %arg2[%add3A_4, %dma_start3A_7] : memref<8192x1024xf32, #tpu.memory_space<hbm>> -> memref<48x1024xf32, #tpu.memory_space<hbm>>
    %dma_start3A_9 = arith.constant 0 : i32
    %dma_start3A_10 = arith.constant 0 : i32
    %dma_start3A_11 = tpu.memref_slice %arg8[%dma_start3A_9, %dma_start3A_10] : memref<48x1024xf32, #tpu.memory_space<vmem>> -> memref<48x1024xf32, #tpu.memory_space<vmem>>
    %dma_start3A_12 = arith.constant 0 : i32
    %dma_start3A_13 = tpu.memref_slice %arg2[%add3A_4, %dma_start3A_12] : memref<8192x1024xf32, #tpu.memory_space<hbm>> -> memref<48x1024xf32, #tpu.memory_space<hbm>>
    tpu.enqueue_dma source(%dma_start3A_13 : memref<48x1024xf32, #tpu.memory_space<hbm>>) target(%dma_start3A_11 : memref<48x1024xf32, #tpu.memory_space<vmem>>) target_semaphore(%arg10 : memref<!tpu.dma_semaphore, #tpu.memory_space<semaphore_mem>>)
    %add3A_14 = arith.constant 48 : i32
    %add3A_15 = arith.addi %add3A_4, %add3A_14 : i32
    %dma_start3A_16 = arith.constant 0 : i32
    %dma_start3A_17 = arith.constant 0 : i32
    %dma_start3A_18 = tpu.memref_slice %arg9[%dma_start3A_16, %dma_start3A_17] : memref<48x1024xf32, #tpu.memory_space<vmem>> -> memref<48x1024xf32, #tpu.memory_space<vmem>>
    %dma_start3A_19 = arith.constant 0 : i32
    %dma_start3A_20 = tpu.memref_slice %arg2[%add3A_15, %dma_start3A_19] : memref<8192x1024xf32, #tpu.memory_space<hbm>> -> memref<48x1024xf32, #tpu.memory_space<hbm>>
    %dma_start3A_21 = arith.constant 0 : i32
    %dma_start3A_22 = arith.constant 0 : i32
    %dma_start3A_23 = tpu.memref_slice %arg9[%dma_start3A_21, %dma_start3A_22] : memref<48x1024xf32, #tpu.memory_space<vmem>> -> memref<48x1024xf32, #tpu.memory_space<vmem>>
    %dma_start3A_24 = arith.constant 0 : i32
    %dma_start3A_25 = tpu.memref_slice %arg2[%add3A_15, %dma_start3A_24] : memref<8192x1024xf32, #tpu.memory_space<hbm>> -> memref<48x1024xf32, #tpu.memory_space<hbm>>
    tpu.enqueue_dma source(%dma_start3A_25 : memref<48x1024xf32, #tpu.memory_space<hbm>>) target(%dma_start3A_23 : memref<48x1024xf32, #tpu.memory_space<vmem>>) target_semaphore(%arg10 : memref<!tpu.dma_semaphore, #tpu.memory_space<semaphore_mem>>)
    %dma_wait3A = arith.constant 0 : i32
    %dma_wait3A_26 = arith.constant 0 : i32
    %dma_wait3A_27 = tpu.memref_slice %arg8[%dma_wait3A, %dma_wait3A_26] : memref<48x1024xf32, #tpu.memory_space<vmem>> -> memref<48x1024xf32, #tpu.memory_space<vmem>>
    %dma_wait3A_28 = arith.constant 0 : i32
    %dma_wait3A_29 = tpu.memref_slice %arg2[%add3A_4, %dma_wait3A_28] : memref<8192x1024xf32, #tpu.memory_space<hbm>> -> memref<48x1024xf32, #tpu.memory_space<hbm>>
    %dma_wait3A_30 = arith.constant 0 : i32
    %dma_wait3A_31 = arith.constant 0 : i32
    %dma_wait3A_32 = tpu.memref_slice %arg8[%dma_wait3A_30, %dma_wait3A_31] : memref<48x1024xf32, #tpu.memory_space<vmem>> -> memref<48x1024xf32, #tpu.memory_space<vmem>>
    %dma_wait3A_33 = arith.constant 0 : i32
    %dma_wait3A_34 = tpu.memref_slice %arg2[%add3A_4, %dma_wait3A_33] : memref<8192x1024xf32, #tpu.memory_space<hbm>> -> memref<48x1024xf32, #tpu.memory_space<hbm>>
    tpu.wait_dma2 semaphore(%arg10 : memref<!tpu.dma_semaphore, #tpu.memory_space<semaphore_mem>>) src(%dma_wait3A_34 : memref<48x1024xf32, #tpu.memory_space<hbm>>) dst(%dma_wait3A_32 : memref<48x1024xf32, #tpu.memory_space<vmem>>)
    %add3A_35 = arith.constant 0 : i32
    %add3A_36 = arith.addi %add3A_4, %add3A_35 : i32
    %dma_start3A_37 = arith.constant 0 : i32
    %dma_start3A_38 = arith.constant 0 : i32
    %dma_start3A_39 = arith.constant 0 : i32
    %dma_start3A_40 = tpu.memref_slice %arg8[%dma_start3A_38, %dma_start3A_39] : memref<48x1024xf32, #tpu.memory_space<vmem>> -> memref<48x1024xf32, #tpu.memory_space<vmem>>
    %dma_start3A_41 = arith.constant 0 : i32
    %dma_start3A_42 = arith.constant 0 : i32
    %dma_start3A_43 = tpu.memref_slice %arg3[%dma_start3A_37, %dma_start3A_41, %dma_start3A_42] : memref<4x8192x1024xf32, #tpu.memory_space<hbm>> -> memref<1x8192x1024xf32, #tpu.memory_space<hbm>>
    %dma_start3A_44 = tpu.memref_squeeze %dma_start3A_43 : memref<1x8192x1024xf32, #tpu.memory_space<hbm>> -> memref<8192x1024xf32, #tpu.memory_space<hbm>>
    %dma_start3A_45 = arith.constant 0 : i32
    %dma_start3A_46 = tpu.memref_slice %dma_start3A_44[%add3A_36, %dma_start3A_45] : memref<8192x1024xf32, #tpu.memory_space<hbm>> -> memref<48x1024xf32, #tpu.memory_space<hbm>>
    %dma_start3A_47 = arith.constant 0 : i32
    %dma_start3A_48 = arith.constant 0 : i32
    %dma_start3A_49 = tpu.memref_slice %arg3[%dma_start3A_37, %dma_start3A_47, %dma_start3A_48] : memref<4x8192x1024xf32, #tpu.memory_space<hbm>> -> memref<1x8192x1024xf32, #tpu.memory_space<hbm>>
    %dma_start3A_50 = tpu.memref_squeeze %dma_start3A_49 : memref<1x8192x1024xf32, #tpu.memory_space<hbm>> -> memref<8192x1024xf32, #tpu.memory_space<hbm>>
    %dma_start3A_51 = arith.constant 0 : i32
    %dma_start3A_52 = tpu.memref_slice %dma_start3A_50[%add3A_36, %dma_start3A_51] : memref<8192x1024xf32, #tpu.memory_space<hbm>> -> memref<48x1024xf32, #tpu.memory_space<hbm>>
    %dma_start3A_53 = arith.constant 0 : i32
    %dma_start3A_54 = arith.constant 0 : i32
    %dma_start3A_55 = tpu.memref_slice %arg8[%dma_start3A_53, %dma_start3A_54] : memref<48x1024xf32, #tpu.memory_space<vmem>> -> memref<48x1024xf32, #tpu.memory_space<vmem>>
    tpu.enqueue_dma source(%dma_start3A_55 : memref<48x1024xf32, #tpu.memory_space<vmem>>) target(%dma_start3A_52 : memref<48x1024xf32, #tpu.memory_space<hbm>>) target_semaphore(%arg11 : memref<!tpu.dma_semaphore, #tpu.memory_space<semaphore_mem>>)
    %add3A_56 = arith.constant 0 : i32
    %add3A_57 = arith.addi %add3A_4, %add3A_56 : i32
    %dma_start3A_58 = arith.constant 1 : i32
    %dma_start3A_59 = arith.constant 0 : i32
    %dma_start3A_60 = arith.constant 0 : i32
    %dma_start3A_61 = tpu.memref_slice %arg8[%dma_start3A_59, %dma_start3A_60] : memref<48x1024xf32, #tpu.memory_space<vmem>> -> memref<48x1024xf32, #tpu.memory_space<vmem>>
    %dma_start3A_62 = arith.constant 0 : i32
    %dma_start3A_63 = arith.constant 0 : i32
    %dma_start3A_64 = tpu.memref_slice %arg3[%dma_start3A_58, %dma_start3A_62, %dma_start3A_63] : memref<4x8192x1024xf32, #tpu.memory_space<hbm>> -> memref<1x8192x1024xf32, #tpu.memory_space<hbm>>
    %dma_start3A_65 = tpu.memref_squeeze %dma_start3A_64 : memref<1x8192x1024xf32, #tpu.memory_space<hbm>> -> memref<8192x1024xf32, #tpu.memory_space<hbm>>
    %dma_start3A_66 = arith.constant 0 : i32
    %dma_start3A_67 = tpu.memref_slice %dma_start3A_65[%add3A_57, %dma_start3A_66] : memref<8192x1024xf32, #tpu.memory_space<hbm>> -> memref<48x1024xf32, #tpu.memory_space<hbm>>
    %dma_start3A_68 = arith.constant 0 : i32
    %dma_start3A_69 = arith.constant 0 : i32
    %dma_start3A_70 = tpu.memref_slice %arg3[%dma_start3A_58, %dma_start3A_68, %dma_start3A_69] : memref<4x8192x1024xf32, #tpu.memory_space<hbm>> -> memref<1x8192x1024xf32, #tpu.memory_space<hbm>>
    %dma_start3A_71 = tpu.memref_squeeze %dma_start3A_70 : memref<1x8192x1024xf32, #tpu.memory_space<hbm>> -> memref<8192x1024xf32, #tpu.memory_space<hbm>>
    %dma_start3A_72 = arith.constant 0 : i32
    %dma_start3A_73 = tpu.memref_slice %dma_start3A_71[%add3A_57, %dma_start3A_72] : memref<8192x1024xf32, #tpu.memory_space<hbm>> -> memref<48x1024xf32, #tpu.memory_space<hbm>>
    %dma_start3A_74 = arith.constant 0 : i32
    %dma_start3A_75 = arith.constant 0 : i32
    %dma_start3A_76 = tpu.memref_slice %arg8[%dma_start3A_74, %dma_start3A_75] : memref<48x1024xf32, #tpu.memory_space<vmem>> -> memref<48x1024xf32, #tpu.memory_space<vmem>>
    tpu.enqueue_dma source(%dma_start3A_76 : memref<48x1024xf32, #tpu.memory_space<vmem>>) target(%dma_start3A_73 : memref<48x1024xf32, #tpu.memory_space<hbm>>) target_semaphore(%arg11 : memref<!tpu.dma_semaphore, #tpu.memory_space<semaphore_mem>>)
    %add3A_77 = arith.constant 0 : i32
    %add3A_78 = arith.addi %add3A_4, %add3A_77 : i32
    %dma_start3A_79 = arith.constant 2 : i32
    %dma_start3A_80 = arith.constant 0 : i32
    %dma_start3A_81 = arith.constant 0 : i32
    %dma_start3A_82 = tpu.memref_slice %arg8[%dma_start3A_80, %dma_start3A_81] : memref<48x1024xf32, #tpu.memory_space<vmem>> -> memref<48x1024xf32, #tpu.memory_space<vmem>>
    %dma_start3A_83 = arith.constant 0 : i32
    %dma_start3A_84 = arith.constant 0 : i32
    %dma_start3A_85 = tpu.memref_slice %arg3[%dma_start3A_79, %dma_start3A_83, %dma_start3A_84] : memref<4x8192x1024xf32, #tpu.memory_space<hbm>> -> memref<1x8192x1024xf32, #tpu.memory_space<hbm>>
    %dma_start3A_86 = tpu.memref_squeeze %dma_start3A_85 : memref<1x8192x1024xf32, #tpu.memory_space<hbm>> -> memref<8192x1024xf32, #tpu.memory_space<hbm>>
    %dma_start3A_87 = arith.constant 0 : i32
    %dma_start3A_88 = tpu.memref_slice %dma_start3A_86[%add3A_78, %dma_start3A_87] : memref<8192x1024xf32, #tpu.memory_space<hbm>> -> memref<48x1024xf32, #tpu.memory_space<hbm>>
    %dma_start3A_89 = arith.constant 0 : i32
    %dma_start3A_90 = arith.constant 0 : i32
    %dma_start3A_91 = tpu.memref_slice %arg3[%dma_start3A_79, %dma_start3A_89, %dma_start3A_90] : memref<4x8192x1024xf32, #tpu.memory_space<hbm>> -> memref<1x8192x1024xf32, #tpu.memory_space<hbm>>
    %dma_start3A_92 = tpu.memref_squeeze %dma_start3A_91 : memref<1x8192x1024xf32, #tpu.memory_space<hbm>> -> memref<8192x1024xf32, #tpu.memory_space<hbm>>
    %dma_start3A_93 = arith.constant 0 : i32
    %dma_start3A_94 = tpu.memref_slice %dma_start3A_92[%add3A_78, %dma_start3A_93] : memref<8192x1024xf32, #tpu.memory_space<hbm>> -> memref<48x1024xf32, #tpu.memory_space<hbm>>
    %dma_start3A_95 = arith.constant 0 : i32
    %dma_start3A_96 = arith.constant 0 : i32
    %dma_start3A_97 = tpu.memref_slice %arg8[%dma_start3A_95, %dma_start3A_96] : memref<48x1024xf32, #tpu.memory_space<vmem>> -> memref<48x1024xf32, #tpu.memory_space<vmem>>
    tpu.enqueue_dma source(%dma_start3A_97 : memref<48x1024xf32, #tpu.memory_space<vmem>>) target(%dma_start3A_94 : memref<48x1024xf32, #tpu.memory_space<hbm>>) target_semaphore(%arg11 : memref<!tpu.dma_semaphore, #tpu.memory_space<semaphore_mem>>)
    %add3A_98 = arith.constant 0 : i32
    %add3A_99 = arith.addi %add3A_4, %add3A_98 : i32
    %dma_start3A_100 = arith.constant 3 : i32
    %dma_start3A_101 = arith.constant 0 : i32
    %dma_start3A_102 = arith.constant 0 : i32
    %dma_start3A_103 = tpu.memref_slice %arg8[%dma_start3A_101, %dma_start3A_102] : memref<48x1024xf32, #tpu.memory_space<vmem>> -> memref<48x1024xf32, #tpu.memory_space<vmem>>
    %dma_start3A_104 = arith.constant 0 : i32
    %dma_start3A_105 = arith.constant 0 : i32
    %dma_start3A_106 = tpu.memref_slice %arg3[%dma_start3A_100, %dma_start3A_104, %dma_start3A_105] : memref<4x8192x1024xf32, #tpu.memory_space<hbm>> -> memref<1x8192x1024xf32, #tpu.memory_space<hbm>>
    %dma_start3A_107 = tpu.memref_squeeze %dma_start3A_106 : memref<1x8192x1024xf32, #tpu.memory_space<hbm>> -> memref<8192x1024xf32, #tpu.memory_space<hbm>>
    %dma_start3A_108 = arith.constant 0 : i32
    %dma_start3A_109 = tpu.memref_slice %dma_start3A_107[%add3A_99, %dma_start3A_108] : memref<8192x1024xf32, #tpu.memory_space<hbm>> -> memref<48x1024xf32, #tpu.memory_space<hbm>>
    %dma_start3A_110 = arith.constant 0 : i32
    %dma_start3A_111 = arith.constant 0 : i32
    %dma_start3A_112 = tpu.memref_slice %arg3[%dma_start3A_100, %dma_start3A_110, %dma_start3A_111] : memref<4x8192x1024xf32, #tpu.memory_space<hbm>> -> memref<1x8192x1024xf32, #tpu.memory_space<hbm>>
    %dma_start3A_113 = tpu.memref_squeeze %dma_start3A_112 : memref<1x8192x1024xf32, #tpu.memory_space<hbm>> -> memref<8192x1024xf32, #tpu.memory_space<hbm>>
    %dma_start3A_114 = arith.constant 0 : i32
    %dma_start3A_115 = tpu.memref_slice %dma_start3A_113[%add3A_99, %dma_start3A_114] : memref<8192x1024xf32, #tpu.memory_space<hbm>> -> memref<48x1024xf32, #tpu.memory_space<hbm>>
    %dma_start3A_116 = arith.constant 0 : i32
    %dma_start3A_117 = arith.constant 0 : i32
    %dma_start3A_118 = tpu.memref_slice %arg8[%dma_start3A_116, %dma_start3A_117] : memref<48x1024xf32, #tpu.memory_space<vmem>> -> memref<48x1024xf32, #tpu.memory_space<vmem>>
    tpu.enqueue_dma source(%dma_start3A_118 : memref<48x1024xf32, #tpu.memory_space<vmem>>) target(%dma_start3A_115 : memref<48x1024xf32, #tpu.memory_space<hbm>>) target_semaphore(%arg11 : memref<!tpu.dma_semaphore, #tpu.memory_space<semaphore_mem>>)
    %dma_wait3A_119 = arith.constant 0 : i32
    %dma_wait3A_120 = arith.constant 0 : i32
    %dma_wait3A_121 = arith.constant 0 : i32
    %dma_wait3A_122 = tpu.memref_slice %arg8[%dma_wait3A_120, %dma_wait3A_121] : memref<48x1024xf32, #tpu.memory_space<vmem>> -> memref<48x1024xf32, #tpu.memory_space<vmem>>
    %dma_wait3A_123 = arith.constant 0 : i32
    %dma_wait3A_124 = arith.constant 0 : i32
    %dma_wait3A_125 = tpu.memref_slice %arg3[%dma_wait3A_119, %dma_wait3A_123, %dma_wait3A_124] : memref<4x8192x1024xf32, #tpu.memory_space<hbm>> -> memref<1x8192x1024xf32, #tpu.memory_space<hbm>>
    %dma_wait3A_126 = tpu.memref_squeeze %dma_wait3A_125 : memref<1x8192x1024xf32, #tpu.memory_space<hbm>> -> memref<8192x1024xf32, #tpu.memory_space<hbm>>
    %dma_wait3A_127 = arith.constant 0 : i32
    %dma_wait3A_128 = tpu.memref_slice %dma_wait3A_126[%add3A_36, %dma_wait3A_127] : memref<8192x1024xf32, #tpu.memory_space<hbm>> -> memref<48x1024xf32, #tpu.memory_space<hbm>>
    %dma_wait3A_129 = arith.constant 0 : i32
    %dma_wait3A_130 = arith.constant 0 : i32
    %dma_wait3A_131 = tpu.memref_slice %arg3[%dma_wait3A_119, %dma_wait3A_129, %dma_wait3A_130] : memref<4x8192x1024xf32, #tpu.memory_space<hbm>> -> memref<1x8192x1024xf32, #tpu.memory_space<hbm>>
    %dma_wait3A_132 = tpu.memref_squeeze %dma_wait3A_131 : memref<1x8192x1024xf32, #tpu.memory_space<hbm>> -> memref<8192x1024xf32, #tpu.memory_space<hbm>>
    %dma_wait3A_133 = arith.constant 0 : i32
    %dma_wait3A_134 = tpu.memref_slice %dma_wait3A_132[%add3A_36, %dma_wait3A_133] : memref<8192x1024xf32, #tpu.memory_space<hbm>> -> memref<48x1024xf32, #tpu.memory_space<hbm>>
    %dma_wait3A_135 = arith.constant 0 : i32
    %dma_wait3A_136 = arith.constant 0 : i32
    %dma_wait3A_137 = tpu.memref_slice %arg8[%dma_wait3A_135, %dma_wait3A_136] : memref<48x1024xf32, #tpu.memory_space<vmem>> -> memref<48x1024xf32, #tpu.memory_space<vmem>>
    tpu.wait_dma2 semaphore(%arg11 : memref<!tpu.dma_semaphore, #tpu.memory_space<semaphore_mem>>) src(%dma_wait3A_137 : memref<48x1024xf32, #tpu.memory_space<vmem>>) dst(%dma_wait3A_134 : memref<48x1024xf32, #tpu.memory_space<hbm>>)
    %dma_wait3A_138 = arith.constant 1 : i32
    %dma_wait3A_139 = arith.constant 0 : i32
    %dma_wait3A_140 = arith.constant 0 : i32
    %dma_wait3A_141 = tpu.memref_slice %arg8[%dma_wait3A_139, %dma_wait3A_140] : memref<48x1024xf32, #tpu.memory_space<vmem>> -> memref<48x1024xf32, #tpu.memory_space<vmem>>
    %dma_wait3A_142 = arith.constant 0 : i32
    %dma_wait3A_143 = arith.constant 0 : i32
    %dma_wait3A_144 = tpu.memref_slice %arg3[%dma_wait3A_138, %dma_wait3A_142, %dma_wait3A_143] : memref<4x8192x1024xf32, #tpu.memory_space<hbm>> -> memref<1x8192x1024xf32, #tpu.memory_space<hbm>>
    %dma_wait3A_145 = tpu.memref_squeeze %dma_wait3A_144 : memref<1x8192x1024xf32, #tpu.memory_space<hbm>> -> memref<8192x1024xf32, #tpu.memory_space<hbm>>
    %dma_wait3A_146 = arith.constant 0 : i32
    %dma_wait3A_147 = tpu.memref_slice %dma_wait3A_145[%add3A_57, %dma_wait3A_146] : memref<8192x1024xf32, #tpu.memory_space<hbm>> -> memref<48x1024xf32, #tpu.memory_space<hbm>>
    %dma_wait3A_148 = arith.constant 0 : i32
    %dma_wait3A_149 = arith.constant 0 : i32
    %dma_wait3A_150 = tpu.memref_slice %arg3[%dma_wait3A_138, %dma_wait3A_148, %dma_wait3A_149] : memref<4x8192x1024xf32, #tpu.memory_space<hbm>> -> memref<1x8192x1024xf32, #tpu.memory_space<hbm>>
    %dma_wait3A_151 = tpu.memref_squeeze %dma_wait3A_150 : memref<1x8192x1024xf32, #tpu.memory_space<hbm>> -> memref<8192x1024xf32, #tpu.memory_space<hbm>>
    %dma_wait3A_152 = arith.constant 0 : i32
    %dma_wait3A_153 = tpu.memref_slice %dma_wait3A_151[%add3A_57, %dma_wait3A_152] : memref<8192x1024xf32, #tpu.memory_space<hbm>> -> memref<48x1024xf32, #tpu.memory_space<hbm>>
    %dma_wait3A_154 = arith.constant 0 : i32
    %dma_wait3A_155 = arith.constant 0 : i32
    %dma_wait3A_156 = tpu.memref_slice %arg8[%dma_wait3A_154, %dma_wait3A_155] : memref<48x1024xf32, #tpu.memory_space<vmem>> -> memref<48x1024xf32, #tpu.memory_space<vmem>>
    tpu.wait_dma2 semaphore(%arg11 : memref<!tpu.dma_semaphore, #tpu.memory_space<semaphore_mem>>) src(%dma_wait3A_156 : memref<48x1024xf32, #tpu.memory_space<vmem>>) dst(%dma_wait3A_153 : memref<48x1024xf32, #tpu.memory_space<hbm>>)
    %dma_wait3A_157 = arith.constant 2 : i32
    %dma_wait3A_158 = arith.constant 0 : i32
    %dma_wait3A_159 = arith.constant 0 : i32
    %dma_wait3A_160 = tpu.memref_slice %arg8[%dma_wait3A_158, %dma_wait3A_159] : memref<48x1024xf32, #tpu.memory_space<vmem>> -> memref<48x1024xf32, #tpu.memory_space<vmem>>
    %dma_wait3A_161 = arith.constant 0 : i32
    %dma_wait3A_162 = arith.constant 0 : i32
    %dma_wait3A_163 = tpu.memref_slice %arg3[%dma_wait3A_157, %dma_wait3A_161, %dma_wait3A_162] : memref<4x8192x1024xf32, #tpu.memory_space<hbm>> -> memref<1x8192x1024xf32, #tpu.memory_space<hbm>>
    %dma_wait3A_164 = tpu.memref_squeeze %dma_wait3A_163 : memref<1x8192x1024xf32, #tpu.memory_space<hbm>> -> memref<8192x1024xf32, #tpu.memory_space<hbm>>
    %dma_wait3A_165 = arith.constant 0 : i32
    %dma_wait3A_166 = tpu.memref_slice %dma_wait3A_164[%add3A_78, %dma_wait3A_165] : memref<8192x1024xf32, #tpu.memory_space<hbm>> -> memref<48x1024xf32, #tpu.memory_space<hbm>>
    %dma_wait3A_167 = arith.constant 0 : i32
    %dma_wait3A_168 = arith.constant 0 : i32
    %dma_wait3A_169 = tpu.memref_slice %arg3[%dma_wait3A_157, %dma_wait3A_167, %dma_wait3A_168] : memref<4x8192x1024xf32, #tpu.memory_space<hbm>> -> memref<1x8192x1024xf32, #tpu.memory_space<hbm>>
    %dma_wait3A_170 = tpu.memref_squeeze %dma_wait3A_169 : memref<1x8192x1024xf32, #tpu.memory_space<hbm>> -> memref<8192x1024xf32, #tpu.memory_space<hbm>>
    %dma_wait3A_171 = arith.constant 0 : i32
    %dma_wait3A_172 = tpu.memref_slice %dma_wait3A_170[%add3A_78, %dma_wait3A_171] : memref<8192x1024xf32, #tpu.memory_space<hbm>> -> memref<48x1024xf32, #tpu.memory_space<hbm>>
    %dma_wait3A_173 = arith.constant 0 : i32
    %dma_wait3A_174 = arith.constant 0 : i32
    %dma_wait3A_175 = tpu.memref_slice %arg8[%dma_wait3A_173, %dma_wait3A_174] : memref<48x1024xf32, #tpu.memory_space<vmem>> -> memref<48x1024xf32, #tpu.memory_space<vmem>>
    tpu.wait_dma2 semaphore(%arg11 : memref<!tpu.dma_semaphore, #tpu.memory_space<semaphore_mem>>) src(%dma_wait3A_175 : memref<48x1024xf32, #tpu.memory_space<vmem>>) dst(%dma_wait3A_172 : memref<48x1024xf32, #tpu.memory_space<hbm>>)
    %dma_wait3A_176 = arith.constant 3 : i32
    %dma_wait3A_177 = arith.constant 0 : i32
    %dma_wait3A_178 = arith.constant 0 : i32
    %dma_wait3A_179 = tpu.memref_slice %arg8[%dma_wait3A_177, %dma_wait3A_178] : memref<48x1024xf32, #tpu.memory_space<vmem>> -> memref<48x1024xf32, #tpu.memory_space<vmem>>
    %dma_wait3A_180 = arith.constant 0 : i32
    %dma_wait3A_181 = arith.constant 0 : i32
    %dma_wait3A_182 = tpu.memref_slice %arg3[%dma_wait3A_176, %dma_wait3A_180, %dma_wait3A_181] : memref<4x8192x1024xf32, #tpu.memory_space<hbm>> -> memref<1x8192x1024xf32, #tpu.memory_space<hbm>>
    %dma_wait3A_183 = tpu.memref_squeeze %dma_wait3A_182 : memref<1x8192x1024xf32, #tpu.memory_space<hbm>> -> memref<8192x1024xf32, #tpu.memory_space<hbm>>
    %dma_wait3A_184 = arith.constant 0 : i32
    %dma_wait3A_185 = tpu.memref_slice %dma_wait3A_183[%add3A_99, %dma_wait3A_184] : memref<8192x1024xf32, #tpu.memory_space<hbm>> -> memref<48x1024xf32, #tpu.memory_space<hbm>>
    %dma_wait3A_186 = arith.constant 0 : i32
    %dma_wait3A_187 = arith.constant 0 : i32
    %dma_wait3A_188 = tpu.memref_slice %arg3[%dma_wait3A_176, %dma_wait3A_186, %dma_wait3A_187] : memref<4x8192x1024xf32, #tpu.memory_space<hbm>> -> memref<1x8192x1024xf32, #tpu.memory_space<hbm>>
    %dma_wait3A_189 = tpu.memref_squeeze %dma_wait3A_188 : memref<1x8192x1024xf32, #tpu.memory_space<hbm>> -> memref<8192x1024xf32, #tpu.memory_space<hbm>>
    %dma_wait3A_190 = arith.constant 0 : i32
    %dma_wait3A_191 = tpu.memref_slice %dma_wait3A_189[%add3A_99, %dma_wait3A_190] : memref<8192x1024xf32, #tpu.memory_space<hbm>> -> memref<48x1024xf32, #tpu.memory_space<hbm>>
    %dma_wait3A_192 = arith.constant 0 : i32
    %dma_wait3A_193 = arith.constant 0 : i32
    %dma_wait3A_194 = tpu.memref_slice %arg8[%dma_wait3A_192, %dma_wait3A_193] : memref<48x1024xf32, #tpu.memory_space<vmem>> -> memref<48x1024xf32, #tpu.memory_space<vmem>>
    tpu.wait_dma2 semaphore(%arg11 : memref<!tpu.dma_semaphore, #tpu.memory_space<semaphore_mem>>) src(%dma_wait3A_194 : memref<48x1024xf32, #tpu.memory_space<vmem>>) dst(%dma_wait3A_191 : memref<48x1024xf32, #tpu.memory_space<hbm>>)
    %add3A_195 = arith.constant 96 : i32
    %add3A_196 = arith.addi %add3A_4, %add3A_195 : i32
    %dma_start3A_197 = arith.constant 0 : i32
    %dma_start3A_198 = arith.constant 0 : i32
    %dma_start3A_199 = tpu.memref_slice %arg8[%dma_start3A_197, %dma_start3A_198] : memref<48x1024xf32, #tpu.memory_space<vmem>> -> memref<48x1024xf32, #tpu.memory_space<vmem>>
    %dma_start3A_200 = arith.constant 0 : i32
    %dma_start3A_201 = tpu.memref_slice %arg2[%add3A_196, %dma_start3A_200] : memref<8192x1024xf32, #tpu.memory_space<hbm>> -> memref<48x1024xf32, #tpu.memory_space<hbm>>
    %dma_start3A_202 = arith.constant 0 : i32
    %dma_start3A_203 = arith.constant 0 : i32
    %dma_start3A_204 = tpu.memref_slice %arg8[%dma_start3A_202, %dma_start3A_203] : memref<48x1024xf32, #tpu.memory_space<vmem>> -> memref<48x1024xf32, #tpu.memory_space<vmem>>
    %dma_start3A_205 = arith.constant 0 : i32
    %dma_start3A_206 = tpu.memref_slice %arg2[%add3A_196, %dma_start3A_205] : memref<8192x1024xf32, #tpu.memory_space<hbm>> -> memref<48x1024xf32, #tpu.memory_space<hbm>>
    tpu.enqueue_dma source(%dma_start3A_206 : memref<48x1024xf32, #tpu.memory_space<hbm>>) target(%dma_start3A_204 : memref<48x1024xf32, #tpu.memory_space<vmem>>) target_semaphore(%arg10 : memref<!tpu.dma_semaphore, #tpu.memory_space<semaphore_mem>>)
    %dma_wait3A_207 = arith.constant 0 : i32
    %dma_wait3A_208 = arith.constant 0 : i32
    %dma_wait3A_209 = tpu.memref_slice %arg9[%dma_wait3A_207, %dma_wait3A_208] : memref<48x1024xf32, #tpu.memory_space<vmem>> -> memref<48x1024xf32, #tpu.memory_space<vmem>>
    %dma_wait3A_210 = arith.constant 0 : i32
    %dma_wait3A_211 = tpu.memref_slice %arg2[%add3A_15, %dma_wait3A_210] : memref<8192x1024xf32, #tpu.memory_space<hbm>> -> memref<48x1024xf32, #tpu.memory_space<hbm>>
    %dma_wait3A_212 = arith.constant 0 : i32
    %dma_wait3A_213 = arith.constant 0 : i32
    %dma_wait3A_214 = tpu.memref_slice %arg9[%dma_wait3A_212, %dma_wait3A_213] : memref<48x1024xf32, #tpu.memory_space<vmem>> -> memref<48x1024xf32, #tpu.memory_space<vmem>>
    %dma_wait3A_215 = arith.constant 0 : i32
    %dma_wait3A_216 = tpu.memref_slice %arg2[%add3A_15, %dma_wait3A_215] : memref<8192x1024xf32, #tpu.memory_space<hbm>> -> memref<48x1024xf32, #tpu.memory_space<hbm>>
    tpu.wait_dma2 semaphore(%arg10 : memref<!tpu.dma_semaphore, #tpu.memory_space<semaphore_mem>>) src(%dma_wait3A_216 : memref<48x1024xf32, #tpu.memory_space<hbm>>) dst(%dma_wait3A_214 : memref<48x1024xf32, #tpu.memory_space<vmem>>)
    %add3A_217 = arith.constant 48 : i32
    %add3A_218 = arith.addi %add3A_4, %add3A_217 : i32
    %dma_start3A_219 = arith.constant 0 : i32
    %dma_start3A_220 = arith.constant 0 : i32
    %dma_start3A_221 = arith.constant 0 : i32
    %dma_start3A_222 = tpu.memref_slice %arg9[%dma_start3A_220, %dma_start3A_221] : memref<48x1024xf32, #tpu.memory_space<vmem>> -> memref<48x1024xf32, #tpu.memory_space<vmem>>
    %dma_start3A_223 = arith.constant 0 : i32
    %dma_start3A_224 = arith.constant 0 : i32
    %dma_start3A_225 = tpu.memref_slice %arg3[%dma_start3A_219, %dma_start3A_223, %dma_start3A_224] : memref<4x8192x1024xf32, #tpu.memory_space<hbm>> -> memref<1x8192x1024xf32, #tpu.memory_space<hbm>>
    %dma_start3A_226 = tpu.memref_squeeze %dma_start3A_225 : memref<1x8192x1024xf32, #tpu.memory_space<hbm>> -> memref<8192x1024xf32, #tpu.memory_space<hbm>>
    %dma_start3A_227 = arith.constant 0 : i32
    %dma_start3A_228 = tpu.memref_slice %dma_start3A_226[%add3A_218, %dma_start3A_227] : memref<8192x1024xf32, #tpu.memory_space<hbm>> -> memref<48x1024xf32, #tpu.memory_space<hbm>>
    %dma_start3A_229 = arith.constant 0 : i32
    %dma_start3A_230 = arith.constant 0 : i32
    %dma_start3A_231 = tpu.memref_slice %arg3[%dma_start3A_219, %dma_start3A_229, %dma_start3A_230] : memref<4x8192x1024xf32, #tpu.memory_space<hbm>> -> memref<1x8192x1024xf32, #tpu.memory_space<hbm>>
    %dma_start3A_232 = tpu.memref_squeeze %dma_start3A_231 : memref<1x8192x1024xf32, #tpu.memory_space<hbm>> -> memref<8192x1024xf32, #tpu.memory_space<hbm>>
    %dma_start3A_233 = arith.constant 0 : i32
    %dma_start3A_234 = tpu.memref_slice %dma_start3A_232[%add3A_218, %dma_start3A_233] : memref<8192x1024xf32, #tpu.memory_space<hbm>> -> memref<48x1024xf32, #tpu.memory_space<hbm>>
    %dma_start3A_235 = arith.constant 0 : i32
    %dma_start3A_236 = arith.constant 0 : i32
    %dma_start3A_237 = tpu.memref_slice %arg9[%dma_start3A_235, %dma_start3A_236] : memref<48x1024xf32, #tpu.memory_space<vmem>> -> memref<48x1024xf32, #tpu.memory_space<vmem>>
    tpu.enqueue_dma source(%dma_start3A_237 : memref<48x1024xf32, #tpu.memory_space<vmem>>) target(%dma_start3A_234 : memref<48x1024xf32, #tpu.memory_space<hbm>>) target_semaphore(%arg11 : memref<!tpu.dma_semaphore, #tpu.memory_space<semaphore_mem>>)
    %add3A_238 = arith.constant 48 : i32
    %add3A_239 = arith.addi %add3A_4, %add3A_238 : i32
    %dma_start3A_240 = arith.constant 1 : i32
    %dma_start3A_241 = arith.constant 0 : i32
    %dma_start3A_242 = arith.constant 0 : i32
    %dma_start3A_243 = tpu.memref_slice %arg9[%dma_start3A_241, %dma_start3A_242] : memref<48x1024xf32, #tpu.memory_space<vmem>> -> memref<48x1024xf32, #tpu.memory_space<vmem>>
    %dma_start3A_244 = arith.constant 0 : i32
    %dma_start3A_245 = arith.constant 0 : i32
    %dma_start3A_246 = tpu.memref_slice %arg3[%dma_start3A_240, %dma_start3A_244, %dma_start3A_245] : memref<4x8192x1024xf32, #tpu.memory_space<hbm>> -> memref<1x8192x1024xf32, #tpu.memory_space<hbm>>
    %dma_start3A_247 = tpu.memref_squeeze %dma_start3A_246 : memref<1x8192x1024xf32, #tpu.memory_space<hbm>> -> memref<8192x1024xf32, #tpu.memory_space<hbm>>
    %dma_start3A_248 = arith.constant 0 : i32
    %dma_start3A_249 = tpu.memref_slice %dma_start3A_247[%add3A_239, %dma_start3A_248] : memref<8192x1024xf32, #tpu.memory_space<hbm>> -> memref<48x1024xf32, #tpu.memory_space<hbm>>
    %dma_start3A_250 = arith.constant 0 : i32
    %dma_start3A_251 = arith.constant 0 : i32
    %dma_start3A_252 = tpu.memref_slice %arg3[%dma_start3A_240, %dma_start3A_250, %dma_start3A_251] : memref<4x8192x1024xf32, #tpu.memory_space<hbm>> -> memref<1x8192x1024xf32, #tpu.memory_space<hbm>>
    %dma_start3A_253 = tpu.memref_squeeze %dma_start3A_252 : memref<1x8192x1024xf32, #tpu.memory_space<hbm>> -> memref<8192x1024xf32, #tpu.memory_space<hbm>>
    %dma_start3A_254 = arith.constant 0 : i32
    %dma_start3A_255 = tpu.memref_slice %dma_start3A_253[%add3A_239, %dma_start3A_254] : memref<8192x1024xf32, #tpu.memory_space<hbm>> -> memref<48x1024xf32, #tpu.memory_space<hbm>>
    %dma_start3A_256 = arith.constant 0 : i32
    %dma_start3A_257 = arith.constant 0 : i32
    %dma_start3A_258 = tpu.memref_slice %arg9[%dma_start3A_256, %dma_start3A_257] : memref<48x1024xf32, #tpu.memory_space<vmem>> -> memref<48x1024xf32, #tpu.memory_space<vmem>>
    tpu.enqueue_dma source(%dma_start3A_258 : memref<48x1024xf32, #tpu.memory_space<vmem>>) target(%dma_start3A_255 : memref<48x1024xf32, #tpu.memory_space<hbm>>) target_semaphore(%arg11 : memref<!tpu.dma_semaphore, #tpu.memory_space<semaphore_mem>>)
    %add3A_259 = arith.constant 48 : i32
    %add3A_260 = arith.addi %add3A_4, %add3A_259 : i32
    %dma_start3A_261 = arith.constant 2 : i32
    %dma_start3A_262 = arith.constant 0 : i32
    %dma_start3A_263 = arith.constant 0 : i32
    %dma_start3A_264 = tpu.memref_slice %arg9[%dma_start3A_262, %dma_start3A_263] : memref<48x1024xf32, #tpu.memory_space<vmem>> -> memref<48x1024xf32, #tpu.memory_space<vmem>>
    %dma_start3A_265 = arith.constant 0 : i32
    %dma_start3A_266 = arith.constant 0 : i32
    %dma_start3A_267 = tpu.memref_slice %arg3[%dma_start3A_261, %dma_start3A_265, %dma_start3A_266] : memref<4x8192x1024xf32, #tpu.memory_space<hbm>> -> memref<1x8192x1024xf32, #tpu.memory_space<hbm>>
    %dma_start3A_268 = tpu.memref_squeeze %dma_start3A_267 : memref<1x8192x1024xf32, #tpu.memory_space<hbm>> -> memref<8192x1024xf32, #tpu.memory_space<hbm>>
    %dma_start3A_269 = arith.constant 0 : i32
    %dma_start3A_270 = tpu.memref_slice %dma_start3A_268[%add3A_260, %dma_start3A_269] : memref<8192x1024xf32, #tpu.memory_space<hbm>> -> memref<48x1024xf32, #tpu.memory_space<hbm>>
    %dma_start3A_271 = arith.constant 0 : i32
    %dma_start3A_272 = arith.constant 0 : i32
    %dma_start3A_273 = tpu.memref_slice %arg3[%dma_start3A_261, %dma_start3A_271, %dma_start3A_272] : memref<4x8192x1024xf32, #tpu.memory_space<hbm>> -> memref<1x8192x1024xf32, #tpu.memory_space<hbm>>
    %dma_start3A_274 = tpu.memref_squeeze %dma_start3A_273 : memref<1x8192x1024xf32, #tpu.memory_space<hbm>> -> memref<8192x1024xf32, #tpu.memory_space<hbm>>
    %dma_start3A_275 = arith.constant 0 : i32
    %dma_start3A_276 = tpu.memref_slice %dma_start3A_274[%add3A_260, %dma_start3A_275] : memref<8192x1024xf32, #tpu.memory_space<hbm>> -> memref<48x1024xf32, #tpu.memory_space<hbm>>
    %dma_start3A_277 = arith.constant 0 : i32
    %dma_start3A_278 = arith.constant 0 : i32
    %dma_start3A_279 = tpu.memref_slice %arg9[%dma_start3A_277, %dma_start3A_278] : memref<48x1024xf32, #tpu.memory_space<vmem>> -> memref<48x1024xf32, #tpu.memory_space<vmem>>
    tpu.enqueue_dma source(%dma_start3A_279 : memref<48x1024xf32, #tpu.memory_space<vmem>>) target(%dma_start3A_276 : memref<48x1024xf32, #tpu.memory_space<hbm>>) target_semaphore(%arg11 : memref<!tpu.dma_semaphore, #tpu.memory_space<semaphore_mem>>)
    %add3A_280 = arith.constant 48 : i32
    %add3A_281 = arith.addi %add3A_4, %add3A_280 : i32
    %dma_start3A_282 = arith.constant 3 : i32
    %dma_start3A_283 = arith.constant 0 : i32
    %dma_start3A_284 = arith.constant 0 : i32
    %dma_start3A_285 = tpu.memref_slice %arg9[%dma_start3A_283, %dma_start3A_284] : memref<48x1024xf32, #tpu.memory_space<vmem>> -> memref<48x1024xf32, #tpu.memory_space<vmem>>
    %dma_start3A_286 = arith.constant 0 : i32
    %dma_start3A_287 = arith.constant 0 : i32
    %dma_start3A_288 = tpu.memref_slice %arg3[%dma_start3A_282, %dma_start3A_286, %dma_start3A_287] : memref<4x8192x1024xf32, #tpu.memory_space<hbm>> -> memref<1x8192x1024xf32, #tpu.memory_space<hbm>>
    %dma_start3A_289 = tpu.memref_squeeze %dma_start3A_288 : memref<1x8192x1024xf32, #tpu.memory_space<hbm>> -> memref<8192x1024xf32, #tpu.memory_space<hbm>>
    %dma_start3A_290 = arith.constant 0 : i32
    %dma_start3A_291 = tpu.memref_slice %dma_start3A_289[%add3A_281, %dma_start3A_290] : memref<8192x1024xf32, #tpu.memory_space<hbm>> -> memref<48x1024xf32, #tpu.memory_space<hbm>>
    %dma_start3A_292 = arith.constant 0 : i32
    %dma_start3A_293 = arith.constant 0 : i32
    %dma_start3A_294 = tpu.memref_slice %arg3[%dma_start3A_282, %dma_start3A_292, %dma_start3A_293] : memref<4x8192x1024xf32, #tpu.memory_space<hbm>> -> memref<1x8192x1024xf32, #tpu.memory_space<hbm>>
    %dma_start3A_295 = tpu.memref_squeeze %dma_start3A_294 : memref<1x8192x1024xf32, #tpu.memory_space<hbm>> -> memref<8192x1024xf32, #tpu.memory_space<hbm>>
    %dma_start3A_296 = arith.constant 0 : i32
    %dma_start3A_297 = tpu.memref_slice %dma_start3A_295[%add3A_281, %dma_start3A_296] : memref<8192x1024xf32, #tpu.memory_space<hbm>> -> memref<48x1024xf32, #tpu.memory_space<hbm>>
    %dma_start3A_298 = arith.constant 0 : i32
    %dma_start3A_299 = arith.constant 0 : i32
    %dma_start3A_300 = tpu.memref_slice %arg9[%dma_start3A_298, %dma_start3A_299] : memref<48x1024xf32, #tpu.memory_space<vmem>> -> memref<48x1024xf32, #tpu.memory_space<vmem>>
    tpu.enqueue_dma source(%dma_start3A_300 : memref<48x1024xf32, #tpu.memory_space<vmem>>) target(%dma_start3A_297 : memref<48x1024xf32, #tpu.memory_space<hbm>>) target_semaphore(%arg11 : memref<!tpu.dma_semaphore, #tpu.memory_space<semaphore_mem>>)
    %dma_wait3A_301 = arith.constant 0 : i32
    %dma_wait3A_302 = arith.constant 0 : i32
    %dma_wait3A_303 = arith.constant 0 : i32
    %dma_wait3A_304 = tpu.memref_slice %arg9[%dma_wait3A_302, %dma_wait3A_303] : memref<48x1024xf32, #tpu.memory_space<vmem>> -> memref<48x1024xf32, #tpu.memory_space<vmem>>
    %dma_wait3A_305 = arith.constant 0 : i32
    %dma_wait3A_306 = arith.constant 0 : i32
    %dma_wait3A_307 = tpu.memref_slice %arg3[%dma_wait3A_301, %dma_wait3A_305, %dma_wait3A_306] : memref<4x8192x1024xf32, #tpu.memory_space<hbm>> -> memref<1x8192x1024xf32, #tpu.memory_space<hbm>>
    %dma_wait3A_308 = tpu.memref_squeeze %dma_wait3A_307 : memref<1x8192x1024xf32, #tpu.memory_space<hbm>> -> memref<8192x1024xf32, #tpu.memory_space<hbm>>
    %dma_wait3A_309 = arith.constant 0 : i32
    %dma_wait3A_310 = tpu.memref_slice %dma_wait3A_308[%add3A_218, %dma_wait3A_309] : memref<8192x1024xf32, #tpu.memory_space<hbm>> -> memref<48x1024xf32, #tpu.memory_space<hbm>>
    %dma_wait3A_311 = arith.constant 0 : i32
    %dma_wait3A_312 = arith.constant 0 : i32
    %dma_wait3A_313 = tpu.memref_slice %arg3[%dma_wait3A_301, %dma_wait3A_311, %dma_wait3A_312] : memref<4x8192x1024xf32, #tpu.memory_space<hbm>> -> memref<1x8192x1024xf32, #tpu.memory_space<hbm>>
    %dma_wait3A_314 = tpu.memref_squeeze %dma_wait3A_313 : memref<1x8192x1024xf32, #tpu.memory_space<hbm>> -> memref<8192x1024xf32, #tpu.memory_space<hbm>>
    %dma_wait3A_315 = arith.constant 0 : i32
    %dma_wait3A_316 = tpu.memref_slice %dma_wait3A_314[%add3A_218, %dma_wait3A_315] : memref<8192x1024xf32, #tpu.memory_space<hbm>> -> memref<48x1024xf32, #tpu.memory_space<hbm>>
    %dma_wait3A_317 = arith.constant 0 : i32
    %dma_wait3A_318 = arith.constant 0 : i32
    %dma_wait3A_319 = tpu.memref_slice %arg9[%dma_wait3A_317, %dma_wait3A_318] : memref<48x1024xf32, #tpu.memory_space<vmem>> -> memref<48x1024xf32, #tpu.memory_space<vmem>>
    tpu.wait_dma2 semaphore(%arg11 : memref<!tpu.dma_semaphore, #tpu.memory_space<semaphore_mem>>) src(%dma_wait3A_319 : memref<48x1024xf32, #tpu.memory_space<vmem>>) dst(%dma_wait3A_316 : memref<48x1024xf32, #tpu.memory_space<hbm>>)
    %dma_wait3A_320 = arith.constant 1 : i32
    %dma_wait3A_321 = arith.constant 0 : i32
    %dma_wait3A_322 = arith.constant 0 : i32
    %dma_wait3A_323 = tpu.memref_slice %arg9[%dma_wait3A_321, %dma_wait3A_322] : memref<48x1024xf32, #tpu.memory_space<vmem>> -> memref<48x1024xf32, #tpu.memory_space<vmem>>
    %dma_wait3A_324 = arith.constant 0 : i32
    %dma_wait3A_325 = arith.constant 0 : i32
    %dma_wait3A_326 = tpu.memref_slice %arg3[%dma_wait3A_320, %dma_wait3A_324, %dma_wait3A_325] : memref<4x8192x1024xf32, #tpu.memory_space<hbm>> -> memref<1x8192x1024xf32, #tpu.memory_space<hbm>>
    %dma_wait3A_327 = tpu.memref_squeeze %dma_wait3A_326 : memref<1x8192x1024xf32, #tpu.memory_space<hbm>> -> memref<8192x1024xf32, #tpu.memory_space<hbm>>
    %dma_wait3A_328 = arith.constant 0 : i32
    %dma_wait3A_329 = tpu.memref_slice %dma_wait3A_327[%add3A_239, %dma_wait3A_328] : memref<8192x1024xf32, #tpu.memory_space<hbm>> -> memref<48x1024xf32, #tpu.memory_space<hbm>>
    %dma_wait3A_330 = arith.constant 0 : i32
    %dma_wait3A_331 = arith.constant 0 : i32
    %dma_wait3A_332 = tpu.memref_slice %arg3[%dma_wait3A_320, %dma_wait3A_330, %dma_wait3A_331] : memref<4x8192x1024xf32, #tpu.memory_space<hbm>> -> memref<1x8192x1024xf32, #tpu.memory_space<hbm>>
    %dma_wait3A_333 = tpu.memref_squeeze %dma_wait3A_332 : memref<1x8192x1024xf32, #tpu.memory_space<hbm>> -> memref<8192x1024xf32, #tpu.memory_space<hbm>>
    %dma_wait3A_334 = arith.constant 0 : i32
    %dma_wait3A_335 = tpu.memref_slice %dma_wait3A_333[%add3A_239, %dma_wait3A_334] : memref<8192x1024xf32, #tpu.memory_space<hbm>> -> memref<48x1024xf32, #tpu.memory_space<hbm>>
    %dma_wait3A_336 = arith.constant 0 : i32
    %dma_wait3A_337 = arith.constant 0 : i32
    %dma_wait3A_338 = tpu.memref_slice %arg9[%dma_wait3A_336, %dma_wait3A_337] : memref<48x1024xf32, #tpu.memory_space<vmem>> -> memref<48x1024xf32, #tpu.memory_space<vmem>>
    tpu.wait_dma2 semaphore(%arg11 : memref<!tpu.dma_semaphore, #tpu.memory_space<semaphore_mem>>) src(%dma_wait3A_338 : memref<48x1024xf32, #tpu.memory_space<vmem>>) dst(%dma_wait3A_335 : memref<48x1024xf32, #tpu.memory_space<hbm>>)
    %dma_wait3A_339 = arith.constant 2 : i32
    %dma_wait3A_340 = arith.constant 0 : i32
    %dma_wait3A_341 = arith.constant 0 : i32
    %dma_wait3A_342 = tpu.memref_slice %arg9[%dma_wait3A_340, %dma_wait3A_341] : memref<48x1024xf32, #tpu.memory_space<vmem>> -> memref<48x1024xf32, #tpu.memory_space<vmem>>
    %dma_wait3A_343 = arith.constant 0 : i32
    %dma_wait3A_344 = arith.constant 0 : i32
    %dma_wait3A_345 = tpu.memref_slice %arg3[%dma_wait3A_339, %dma_wait3A_343, %dma_wait3A_344] : memref<4x8192x1024xf32, #tpu.memory_space<hbm>> -> memref<1x8192x1024xf32, #tpu.memory_space<hbm>>
    %dma_wait3A_346 = tpu.memref_squeeze %dma_wait3A_345 : memref<1x8192x1024xf32, #tpu.memory_space<hbm>> -> memref<8192x1024xf32, #tpu.memory_space<hbm>>
    %dma_wait3A_347 = arith.constant 0 : i32
    %dma_wait3A_348 = tpu.memref_slice %dma_wait3A_346[%add3A_260, %dma_wait3A_347] : memref<8192x1024xf32, #tpu.memory_space<hbm>> -> memref<48x1024xf32, #tpu.memory_space<hbm>>
    %dma_wait3A_349 = arith.constant 0 : i32
    %dma_wait3A_350 = arith.constant 0 : i32
    %dma_wait3A_351 = tpu.memref_slice %arg3[%dma_wait3A_339, %dma_wait3A_349, %dma_wait3A_350] : memref<4x8192x1024xf32, #tpu.memory_space<hbm>> -> memref<1x8192x1024xf32, #tpu.memory_space<hbm>>
    %dma_wait3A_352 = tpu.memref_squeeze %dma_wait3A_351 : memref<1x8192x1024xf32, #tpu.memory_space<hbm>> -> memref<8192x1024xf32, #tpu.memory_space<hbm>>
    %dma_wait3A_353 = arith.constant 0 : i32
    %dma_wait3A_354 = tpu.memref_slice %dma_wait3A_352[%add3A_260, %dma_wait3A_353] : memref<8192x1024xf32, #tpu.memory_space<hbm>> -> memref<48x1024xf32, #tpu.memory_space<hbm>>
    %dma_wait3A_355 = arith.constant 0 : i32
    %dma_wait3A_356 = arith.constant 0 : i32
    %dma_wait3A_357 = tpu.memref_slice %arg9[%dma_wait3A_355, %dma_wait3A_356] : memref<48x1024xf32, #tpu.memory_space<vmem>> -> memref<48x1024xf32, #tpu.memory_space<vmem>>
    tpu.wait_dma2 semaphore(%arg11 : memref<!tpu.dma_semaphore, #tpu.memory_space<semaphore_mem>>) src(%dma_wait3A_357 : memref<48x1024xf32, #tpu.memory_space<vmem>>) dst(%dma_wait3A_354 : memref<48x1024xf32, #tpu.memory_space<hbm>>)
    %dma_wait3A_358 = arith.constant 3 : i32
    %dma_wait3A_359 = arith.constant 0 : i32
    %dma_wait3A_360 = arith.constant 0 : i32
    %dma_wait3A_361 = tpu.memref_slice %arg9[%dma_wait3A_359, %dma_wait3A_360] : memref<48x1024xf32, #tpu.memory_space<vmem>> -> memref<48x1024xf32, #tpu.memory_space<vmem>>
    %dma_wait3A_362 = arith.constant 0 : i32
    %dma_wait3A_363 = arith.constant 0 : i32
    %dma_wait3A_364 = tpu.memref_slice %arg3[%dma_wait3A_358, %dma_wait3A_362, %dma_wait3A_363] : memref<4x8192x1024xf32, #tpu.memory_space<hbm>> -> memref<1x8192x1024xf32, #tpu.memory_space<hbm>>
    %dma_wait3A_365 = tpu.memref_squeeze %dma_wait3A_364 : memref<1x8192x1024xf32, #tpu.memory_space<hbm>> -> memref<8192x1024xf32, #tpu.memory_space<hbm>>
    %dma_wait3A_366 = arith.constant 0 : i32
    %dma_wait3A_367 = tpu.memref_slice %dma_wait3A_365[%add3A_281, %dma_wait3A_366] : memref<8192x1024xf32, #tpu.memory_space<hbm>> -> memref<48x1024xf32, #tpu.memory_space<hbm>>
    %dma_wait3A_368 = arith.constant 0 : i32
    %dma_wait3A_369 = arith.constant 0 : i32
    %dma_wait3A_370 = tpu.memref_slice %arg3[%dma_wait3A_358, %dma_wait3A_368, %dma_wait3A_369] : memref<4x8192x1024xf32, #tpu.memory_space<hbm>> -> memref<1x8192x1024xf32, #tpu.memory_space<hbm>>
    %dma_wait3A_371 = tpu.memref_squeeze %dma_wait3A_370 : memref<1x8192x1024xf32, #tpu.memory_space<hbm>> -> memref<8192x1024xf32, #tpu.memory_space<hbm>>
    %dma_wait3A_372 = arith.constant 0 : i32
    %dma_wait3A_373 = tpu.memref_slice %dma_wait3A_371[%add3A_281, %dma_wait3A_372] : memref<8192x1024xf32, #tpu.memory_space<hbm>> -> memref<48x1024xf32, #tpu.memory_space<hbm>>
    %dma_wait3A_374 = arith.constant 0 : i32
    %dma_wait3A_375 = arith.constant 0 : i32
    %dma_wait3A_376 = tpu.memref_slice %arg9[%dma_wait3A_374, %dma_wait3A_375] : memref<48x1024xf32, #tpu.memory_space<vmem>> -> memref<48x1024xf32, #tpu.memory_space<vmem>>
    tpu.wait_dma2 semaphore(%arg11 : memref<!tpu.dma_semaphore, #tpu.memory_space<semaphore_mem>>) src(%dma_wait3A_376 : memref<48x1024xf32, #tpu.memory_space<vmem>>) dst(%dma_wait3A_373 : memref<48x1024xf32, #tpu.memory_space<hbm>>)
    %add3A_377 = arith.constant 144 : i32
    %add3A_378 = arith.addi %add3A_4, %add3A_377 : i32
    %dma_start3A_379 = arith.constant 0 : i32
    %dma_start3A_380 = arith.constant 0 : i32
    %dma_start3A_381 = tpu.memref_slice %arg9[%dma_start3A_379, %dma_start3A_380] : memref<48x1024xf32, #tpu.memory_space<vmem>> -> memref<16x1024xf32, #tpu.memory_space<vmem>>
    %dma_start3A_382 = arith.constant 0 : i32
    %dma_start3A_383 = tpu.memref_slice %arg2[%add3A_378, %dma_start3A_382] : memref<8192x1024xf32, #tpu.memory_space<hbm>> -> memref<16x1024xf32, #tpu.memory_space<hbm>>
    %dma_start3A_384 = arith.constant 0 : i32
    %dma_start3A_385 = arith.constant 0 : i32
    %dma_start3A_386 = tpu.memref_slice %arg9[%dma_start3A_384, %dma_start3A_385] : memref<48x1024xf32, #tpu.memory_space<vmem>> -> memref<16x1024xf32, #tpu.memory_space<vmem>>
    %dma_start3A_387 = arith.constant 0 : i32
    %dma_start3A_388 = tpu.memref_slice %arg2[%add3A_378, %dma_start3A_387] : memref<8192x1024xf32, #tpu.memory_space<hbm>> -> memref<16x1024xf32, #tpu.memory_space<hbm>>
    tpu.enqueue_dma source(%dma_start3A_388 : memref<16x1024xf32, #tpu.memory_space<hbm>>) target(%dma_start3A_386 : memref<16x1024xf32, #tpu.memory_space<vmem>>) target_semaphore(%arg10 : memref<!tpu.dma_semaphore, #tpu.memory_space<semaphore_mem>>)
    %dma_wait3A_389 = arith.constant 0 : i32
    %dma_wait3A_390 = arith.constant 0 : i32
    %dma_wait3A_391 = tpu.memref_slice %arg8[%dma_wait3A_389, %dma_wait3A_390] : memref<48x1024xf32, #tpu.memory_space<vmem>> -> memref<48x1024xf32, #tpu.memory_space<vmem>>
    %dma_wait3A_392 = arith.constant 0 : i32
    %dma_wait3A_393 = tpu.memref_slice %arg2[%add3A_196, %dma_wait3A_392] : memref<8192x1024xf32, #tpu.memory_space<hbm>> -> memref<48x1024xf32, #tpu.memory_space<hbm>>
    %dma_wait3A_394 = arith.constant 0 : i32
    %dma_wait3A_395 = arith.constant 0 : i32
    %dma_wait3A_396 = tpu.memref_slice %arg8[%dma_wait3A_394, %dma_wait3A_395] : memref<48x1024xf32, #tpu.memory_space<vmem>> -> memref<48x1024xf32, #tpu.memory_space<vmem>>
    %dma_wait3A_397 = arith.constant 0 : i32
    %dma_wait3A_398 = tpu.memref_slice %arg2[%add3A_196, %dma_wait3A_397] : memref<8192x1024xf32, #tpu.memory_space<hbm>> -> memref<48x1024xf32, #tpu.memory_space<hbm>>
    tpu.wait_dma2 semaphore(%arg10 : memref<!tpu.dma_semaphore, #tpu.memory_space<semaphore_mem>>) src(%dma_wait3A_398 : memref<48x1024xf32, #tpu.memory_space<hbm>>) dst(%dma_wait3A_396 : memref<48x1024xf32, #tpu.memory_space<vmem>>)
    %add3A_399 = arith.constant 96 : i32
    %add3A_400 = arith.addi %add3A_4, %add3A_399 : i32
    %dma_start3A_401 = arith.constant 0 : i32
    %dma_start3A_402 = arith.constant 0 : i32
    %dma_start3A_403 = arith.constant 0 : i32
    %dma_start3A_404 = tpu.memref_slice %arg8[%dma_start3A_402, %dma_start3A_403] : memref<48x1024xf32, #tpu.memory_space<vmem>> -> memref<48x1024xf32, #tpu.memory_space<vmem>>
    %dma_start3A_405 = arith.constant 0 : i32
    %dma_start3A_406 = arith.constant 0 : i32
    %dma_start3A_407 = tpu.memref_slice %arg3[%dma_start3A_401, %dma_start3A_405, %dma_start3A_406] : memref<4x8192x1024xf32, #tpu.memory_space<hbm>> -> memref<1x8192x1024xf32, #tpu.memory_space<hbm>>
    %dma_start3A_408 = tpu.memref_squeeze %dma_start3A_407 : memref<1x8192x1024xf32, #tpu.memory_space<hbm>> -> memref<8192x1024xf32, #tpu.memory_space<hbm>>
    %dma_start3A_409 = arith.constant 0 : i32
    %dma_start3A_410 = tpu.memref_slice %dma_start3A_408[%add3A_400, %dma_start3A_409] : memref<8192x1024xf32, #tpu.memory_space<hbm>> -> memref<48x1024xf32, #tpu.memory_space<hbm>>
    %dma_start3A_411 = arith.constant 0 : i32
    %dma_start3A_412 = arith.constant 0 : i32
    %dma_start3A_413 = tpu.memref_slice %arg3[%dma_start3A_401, %dma_start3A_411, %dma_start3A_412] : memref<4x8192x1024xf32, #tpu.memory_space<hbm>> -> memref<1x8192x1024xf32, #tpu.memory_space<hbm>>
    %dma_start3A_414 = tpu.memref_squeeze %dma_start3A_413 : memref<1x8192x1024xf32, #tpu.memory_space<hbm>> -> memref<8192x1024xf32, #tpu.memory_space<hbm>>
    %dma_start3A_415 = arith.constant 0 : i32
    %dma_start3A_416 = tpu.memref_slice %dma_start3A_414[%add3A_400, %dma_start3A_415] : memref<8192x1024xf32, #tpu.memory_space<hbm>> -> memref<48x1024xf32, #tpu.memory_space<hbm>>
    %dma_start3A_417 = arith.constant 0 : i32
    %dma_start3A_418 = arith.constant 0 : i32
    %dma_start3A_419 = tpu.memref_slice %arg8[%dma_start3A_417, %dma_start3A_418] : memref<48x1024xf32, #tpu.memory_space<vmem>> -> memref<48x1024xf32, #tpu.memory_space<vmem>>
    tpu.enqueue_dma source(%dma_start3A_419 : memref<48x1024xf32, #tpu.memory_space<vmem>>) target(%dma_start3A_416 : memref<48x1024xf32, #tpu.memory_space<hbm>>) target_semaphore(%arg11 : memref<!tpu.dma_semaphore, #tpu.memory_space<semaphore_mem>>)
    %add3A_420 = arith.constant 96 : i32
    %add3A_421 = arith.addi %add3A_4, %add3A_420 : i32
    %dma_start3A_422 = arith.constant 1 : i32
    %dma_start3A_423 = arith.constant 0 : i32
    %dma_start3A_424 = arith.constant 0 : i32
    %dma_start3A_425 = tpu.memref_slice %arg8[%dma_start3A_423, %dma_start3A_424] : memref<48x1024xf32, #tpu.memory_space<vmem>> -> memref<48x1024xf32, #tpu.memory_space<vmem>>
    %dma_start3A_426 = arith.constant 0 : i32
    %dma_start3A_427 = arith.constant 0 : i32
    %dma_start3A_428 = tpu.memref_slice %arg3[%dma_start3A_422, %dma_start3A_426, %dma_start3A_427] : memref<4x8192x1024xf32, #tpu.memory_space<hbm>> -> memref<1x8192x1024xf32, #tpu.memory_space<hbm>>
    %dma_start3A_429 = tpu.memref_squeeze %dma_start3A_428 : memref<1x8192x1024xf32, #tpu.memory_space<hbm>> -> memref<8192x1024xf32, #tpu.memory_space<hbm>>
    %dma_start3A_430 = arith.constant 0 : i32
    %dma_start3A_431 = tpu.memref_slice %dma_start3A_429[%add3A_421, %dma_start3A_430] : memref<8192x1024xf32, #tpu.memory_space<hbm>> -> memref<48x1024xf32, #tpu.memory_space<hbm>>
    %dma_start3A_432 = arith.constant 0 : i32
    %dma_start3A_433 = arith.constant 0 : i32
    %dma_start3A_434 = tpu.memref_slice %arg3[%dma_start3A_422, %dma_start3A_432, %dma_start3A_433] : memref<4x8192x1024xf32, #tpu.memory_space<hbm>> -> memref<1x8192x1024xf32, #tpu.memory_space<hbm>>
    %dma_start3A_435 = tpu.memref_squeeze %dma_start3A_434 : memref<1x8192x1024xf32, #tpu.memory_space<hbm>> -> memref<8192x1024xf32, #tpu.memory_space<hbm>>
    %dma_start3A_436 = arith.constant 0 : i32
    %dma_start3A_437 = tpu.memref_slice %dma_start3A_435[%add3A_421, %dma_start3A_436] : memref<8192x1024xf32, #tpu.memory_space<hbm>> -> memref<48x1024xf32, #tpu.memory_space<hbm>>
    %dma_start3A_438 = arith.constant 0 : i32
    %dma_start3A_439 = arith.constant 0 : i32
    %dma_start3A_440 = tpu.memref_slice %arg8[%dma_start3A_438, %dma_start3A_439] : memref<48x1024xf32, #tpu.memory_space<vmem>> -> memref<48x1024xf32, #tpu.memory_space<vmem>>
    tpu.enqueue_dma source(%dma_start3A_440 : memref<48x1024xf32, #tpu.memory_space<vmem>>) target(%dma_start3A_437 : memref<48x1024xf32, #tpu.memory_space<hbm>>) target_semaphore(%arg11 : memref<!tpu.dma_semaphore, #tpu.memory_space<semaphore_mem>>)
    %add3A_441 = arith.constant 96 : i32
    %add3A_442 = arith.addi %add3A_4, %add3A_441 : i32
    %dma_start3A_443 = arith.constant 2 : i32
    %dma_start3A_444 = arith.constant 0 : i32
    %dma_start3A_445 = arith.constant 0 : i32
    %dma_start3A_446 = tpu.memref_slice %arg8[%dma_start3A_444, %dma_start3A_445] : memref<48x1024xf32, #tpu.memory_space<vmem>> -> memref<48x1024xf32, #tpu.memory_space<vmem>>
    %dma_start3A_447 = arith.constant 0 : i32
    %dma_start3A_448 = arith.constant 0 : i32
    %dma_start3A_449 = tpu.memref_slice %arg3[%dma_start3A_443, %dma_start3A_447, %dma_start3A_448] : memref<4x8192x1024xf32, #tpu.memory_space<hbm>> -> memref<1x8192x1024xf32, #tpu.memory_space<hbm>>
    %dma_start3A_450 = tpu.memref_squeeze %dma_start3A_449 : memref<1x8192x1024xf32, #tpu.memory_space<hbm>> -> memref<8192x1024xf32, #tpu.memory_space<hbm>>
    %dma_start3A_451 = arith.constant 0 : i32
    %dma_start3A_452 = tpu.memref_slice %dma_start3A_450[%add3A_442, %dma_start3A_451] : memref<8192x1024xf32, #tpu.memory_space<hbm>> -> memref<48x1024xf32, #tpu.memory_space<hbm>>
    %dma_start3A_453 = arith.constant 0 : i32
    %dma_start3A_454 = arith.constant 0 : i32
    %dma_start3A_455 = tpu.memref_slice %arg3[%dma_start3A_443, %dma_start3A_453, %dma_start3A_454] : memref<4x8192x1024xf32, #tpu.memory_space<hbm>> -> memref<1x8192x1024xf32, #tpu.memory_space<hbm>>
    %dma_start3A_456 = tpu.memref_squeeze %dma_start3A_455 : memref<1x8192x1024xf32, #tpu.memory_space<hbm>> -> memref<8192x1024xf32, #tpu.memory_space<hbm>>
    %dma_start3A_457 = arith.constant 0 : i32
    %dma_start3A_458 = tpu.memref_slice %dma_start3A_456[%add3A_442, %dma_start3A_457] : memref<8192x1024xf32, #tpu.memory_space<hbm>> -> memref<48x1024xf32, #tpu.memory_space<hbm>>
    %dma_start3A_459 = arith.constant 0 : i32
    %dma_start3A_460 = arith.constant 0 : i32
    %dma_start3A_461 = tpu.memref_slice %arg8[%dma_start3A_459, %dma_start3A_460] : memref<48x1024xf32, #tpu.memory_space<vmem>> -> memref<48x1024xf32, #tpu.memory_space<vmem>>
    tpu.enqueue_dma source(%dma_start3A_461 : memref<48x1024xf32, #tpu.memory_space<vmem>>) target(%dma_start3A_458 : memref<48x1024xf32, #tpu.memory_space<hbm>>) target_semaphore(%arg11 : memref<!tpu.dma_semaphore, #tpu.memory_space<semaphore_mem>>)
    %add3A_462 = arith.constant 96 : i32
    %add3A_463 = arith.addi %add3A_4, %add3A_462 : i32
    %dma_start3A_464 = arith.constant 3 : i32
    %dma_start3A_465 = arith.constant 0 : i32
    %dma_start3A_466 = arith.constant 0 : i32
    %dma_start3A_467 = tpu.memref_slice %arg8[%dma_start3A_465, %dma_start3A_466] : memref<48x1024xf32, #tpu.memory_space<vmem>> -> memref<48x1024xf32, #tpu.memory_space<vmem>>
    %dma_start3A_468 = arith.constant 0 : i32
    %dma_start3A_469 = arith.constant 0 : i32
    %dma_start3A_470 = tpu.memref_slice %arg3[%dma_start3A_464, %dma_start3A_468, %dma_start3A_469] : memref<4x8192x1024xf32, #tpu.memory_space<hbm>> -> memref<1x8192x1024xf32, #tpu.memory_space<hbm>>
    %dma_start3A_471 = tpu.memref_squeeze %dma_start3A_470 : memref<1x8192x1024xf32, #tpu.memory_space<hbm>> -> memref<8192x1024xf32, #tpu.memory_space<hbm>>
    %dma_start3A_472 = arith.constant 0 : i32
    %dma_start3A_473 = tpu.memref_slice %dma_start3A_471[%add3A_463, %dma_start3A_472] : memref<8192x1024xf32, #tpu.memory_space<hbm>> -> memref<48x1024xf32, #tpu.memory_space<hbm>>
    %dma_start3A_474 = arith.constant 0 : i32
    %dma_start3A_475 = arith.constant 0 : i32
    %dma_start3A_476 = tpu.memref_slice %arg3[%dma_start3A_464, %dma_start3A_474, %dma_start3A_475] : memref<4x8192x1024xf32, #tpu.memory_space<hbm>> -> memref<1x8192x1024xf32, #tpu.memory_space<hbm>>
    %dma_start3A_477 = tpu.memref_squeeze %dma_start3A_476 : memref<1x8192x1024xf32, #tpu.memory_space<hbm>> -> memref<8192x1024xf32, #tpu.memory_space<hbm>>
    %dma_start3A_478 = arith.constant 0 : i32
    %dma_start3A_479 = tpu.memref_slice %dma_start3A_477[%add3A_463, %dma_start3A_478] : memref<8192x1024xf32, #tpu.memory_space<hbm>> -> memref<48x1024xf32, #tpu.memory_space<hbm>>
    %dma_start3A_480 = arith.constant 0 : i32
    %dma_start3A_481 = arith.constant 0 : i32
    %dma_start3A_482 = tpu.memref_slice %arg8[%dma_start3A_480, %dma_start3A_481] : memref<48x1024xf32, #tpu.memory_space<vmem>> -> memref<48x1024xf32, #tpu.memory_space<vmem>>
    tpu.enqueue_dma source(%dma_start3A_482 : memref<48x1024xf32, #tpu.memory_space<vmem>>) target(%dma_start3A_479 : memref<48x1024xf32, #tpu.memory_space<hbm>>) target_semaphore(%arg11 : memref<!tpu.dma_semaphore, #tpu.memory_space<semaphore_mem>>)
    %dma_wait3A_483 = arith.constant 0 : i32
    %dma_wait3A_484 = arith.constant 0 : i32
    %dma_wait3A_485 = tpu.memref_slice %arg9[%dma_wait3A_483, %dma_wait3A_484] : memref<48x1024xf32, #tpu.memory_space<vmem>> -> memref<16x1024xf32, #tpu.memory_space<vmem>>
    %dma_wait3A_486 = arith.constant 0 : i32
    %dma_wait3A_487 = tpu.memref_slice %arg2[%add3A_378, %dma_wait3A_486] : memref<8192x1024xf32, #tpu.memory_space<hbm>> -> memref<16x1024xf32, #tpu.memory_space<hbm>>
    %dma_wait3A_488 = arith.constant 0 : i32
    %dma_wait3A_489 = arith.constant 0 : i32
    %dma_wait3A_490 = tpu.memref_slice %arg9[%dma_wait3A_488, %dma_wait3A_489] : memref<48x1024xf32, #tpu.memory_space<vmem>> -> memref<16x1024xf32, #tpu.memory_space<vmem>>
    %dma_wait3A_491 = arith.constant 0 : i32
    %dma_wait3A_492 = tpu.memref_slice %arg2[%add3A_378, %dma_wait3A_491] : memref<8192x1024xf32, #tpu.memory_space<hbm>> -> memref<16x1024xf32, #tpu.memory_space<hbm>>
    tpu.wait_dma2 semaphore(%arg10 : memref<!tpu.dma_semaphore, #tpu.memory_space<semaphore_mem>>) src(%dma_wait3A_492 : memref<16x1024xf32, #tpu.memory_space<hbm>>) dst(%dma_wait3A_490 : memref<16x1024xf32, #tpu.memory_space<vmem>>)
    %add3A_493 = arith.constant 144 : i32
    %add3A_494 = arith.addi %add3A_4, %add3A_493 : i32
    %dma_start3A_495 = arith.constant 0 : i32
    %dma_start3A_496 = arith.constant 0 : i32
    %dma_start3A_497 = arith.constant 0 : i32
    %dma_start3A_498 = tpu.memref_slice %arg9[%dma_start3A_496, %dma_start3A_497] : memref<48x1024xf32, #tpu.memory_space<vmem>> -> memref<16x1024xf32, #tpu.memory_space<vmem>>
    %dma_start3A_499 = arith.constant 0 : i32
    %dma_start3A_500 = arith.constant 0 : i32
    %dma_start3A_501 = tpu.memref_slice %arg3[%dma_start3A_495, %dma_start3A_499, %dma_start3A_500] : memref<4x8192x1024xf32, #tpu.memory_space<hbm>> -> memref<1x8192x1024xf32, #tpu.memory_space<hbm>>
    %dma_start3A_502 = tpu.memref_squeeze %dma_start3A_501 : memref<1x8192x1024xf32, #tpu.memory_space<hbm>> -> memref<8192x1024xf32, #tpu.memory_space<hbm>>
    %dma_start3A_503 = arith.constant 0 : i32
    %dma_start3A_504 = tpu.memref_slice %dma_start3A_502[%add3A_494, %dma_start3A_503] : memref<8192x1024xf32, #tpu.memory_space<hbm>> -> memref<16x1024xf32, #tpu.memory_space<hbm>>
    %dma_start3A_505 = arith.constant 0 : i32
    %dma_start3A_506 = arith.constant 0 : i32
    %dma_start3A_507 = tpu.memref_slice %arg3[%dma_start3A_495, %dma_start3A_505, %dma_start3A_506] : memref<4x8192x1024xf32, #tpu.memory_space<hbm>> -> memref<1x8192x1024xf32, #tpu.memory_space<hbm>>
    %dma_start3A_508 = tpu.memref_squeeze %dma_start3A_507 : memref<1x8192x1024xf32, #tpu.memory_space<hbm>> -> memref<8192x1024xf32, #tpu.memory_space<hbm>>
    %dma_start3A_509 = arith.constant 0 : i32
    %dma_start3A_510 = tpu.memref_slice %dma_start3A_508[%add3A_494, %dma_start3A_509] : memref<8192x1024xf32, #tpu.memory_space<hbm>> -> memref<16x1024xf32, #tpu.memory_space<hbm>>
    %dma_start3A_511 = arith.constant 0 : i32
    %dma_start3A_512 = arith.constant 0 : i32
    %dma_start3A_513 = tpu.memref_slice %arg9[%dma_start3A_511, %dma_start3A_512] : memref<48x1024xf32, #tpu.memory_space<vmem>> -> memref<16x1024xf32, #tpu.memory_space<vmem>>
    tpu.enqueue_dma source(%dma_start3A_513 : memref<16x1024xf32, #tpu.memory_space<vmem>>) target(%dma_start3A_510 : memref<16x1024xf32, #tpu.memory_space<hbm>>) target_semaphore(%arg11 : memref<!tpu.dma_semaphore, #tpu.memory_space<semaphore_mem>>)
    %add3A_514 = arith.constant 144 : i32
    %add3A_515 = arith.addi %add3A_4, %add3A_514 : i32
    %dma_start3A_516 = arith.constant 1 : i32
    %dma_start3A_517 = arith.constant 0 : i32
    %dma_start3A_518 = arith.constant 0 : i32
    %dma_start3A_519 = tpu.memref_slice %arg9[%dma_start3A_517, %dma_start3A_518] : memref<48x1024xf32, #tpu.memory_space<vmem>> -> memref<16x1024xf32, #tpu.memory_space<vmem>>
    %dma_start3A_520 = arith.constant 0 : i32
    %dma_start3A_521 = arith.constant 0 : i32
    %dma_start3A_522 = tpu.memref_slice %arg3[%dma_start3A_516, %dma_start3A_520, %dma_start3A_521] : memref<4x8192x1024xf32, #tpu.memory_space<hbm>> -> memref<1x8192x1024xf32, #tpu.memory_space<hbm>>
    %dma_start3A_523 = tpu.memref_squeeze %dma_start3A_522 : memref<1x8192x1024xf32, #tpu.memory_space<hbm>> -> memref<8192x1024xf32, #tpu.memory_space<hbm>>
    %dma_start3A_524 = arith.constant 0 : i32
    %dma_start3A_525 = tpu.memref_slice %dma_start3A_523[%add3A_515, %dma_start3A_524] : memref<8192x1024xf32, #tpu.memory_space<hbm>> -> memref<16x1024xf32, #tpu.memory_space<hbm>>
    %dma_start3A_526 = arith.constant 0 : i32
    %dma_start3A_527 = arith.constant 0 : i32
    %dma_start3A_528 = tpu.memref_slice %arg3[%dma_start3A_516, %dma_start3A_526, %dma_start3A_527] : memref<4x8192x1024xf32, #tpu.memory_space<hbm>> -> memref<1x8192x1024xf32, #tpu.memory_space<hbm>>
    %dma_start3A_529 = tpu.memref_squeeze %dma_start3A_528 : memref<1x8192x1024xf32, #tpu.memory_space<hbm>> -> memref<8192x1024xf32, #tpu.memory_space<hbm>>
    %dma_start3A_530 = arith.constant 0 : i32
    %dma_start3A_531 = tpu.memref_slice %dma_start3A_529[%add3A_515, %dma_start3A_530] : memref<8192x1024xf32, #tpu.memory_space<hbm>> -> memref<16x1024xf32, #tpu.memory_space<hbm>>
    %dma_start3A_532 = arith.constant 0 : i32
    %dma_start3A_533 = arith.constant 0 : i32
    %dma_start3A_534 = tpu.memref_slice %arg9[%dma_start3A_532, %dma_start3A_533] : memref<48x1024xf32, #tpu.memory_space<vmem>> -> memref<16x1024xf32, #tpu.memory_space<vmem>>
    tpu.enqueue_dma source(%dma_start3A_534 : memref<16x1024xf32, #tpu.memory_space<vmem>>) target(%dma_start3A_531 : memref<16x1024xf32, #tpu.memory_space<hbm>>) target_semaphore(%arg11 : memref<!tpu.dma_semaphore, #tpu.memory_space<semaphore_mem>>)
    %add3A_535 = arith.constant 144 : i32
    %add3A_536 = arith.addi %add3A_4, %add3A_535 : i32
    %dma_start3A_537 = arith.constant 2 : i32
    %dma_start3A_538 = arith.constant 0 : i32
    %dma_start3A_539 = arith.constant 0 : i32
    %dma_start3A_540 = tpu.memref_slice %arg9[%dma_start3A_538, %dma_start3A_539] : memref<48x1024xf32, #tpu.memory_space<vmem>> -> memref<16x1024xf32, #tpu.memory_space<vmem>>
    %dma_start3A_541 = arith.constant 0 : i32
    %dma_start3A_542 = arith.constant 0 : i32
    %dma_start3A_543 = tpu.memref_slice %arg3[%dma_start3A_537, %dma_start3A_541, %dma_start3A_542] : memref<4x8192x1024xf32, #tpu.memory_space<hbm>> -> memref<1x8192x1024xf32, #tpu.memory_space<hbm>>
    %dma_start3A_544 = tpu.memref_squeeze %dma_start3A_543 : memref<1x8192x1024xf32, #tpu.memory_space<hbm>> -> memref<8192x1024xf32, #tpu.memory_space<hbm>>
    %dma_start3A_545 = arith.constant 0 : i32
    %dma_start3A_546 = tpu.memref_slice %dma_start3A_544[%add3A_536, %dma_start3A_545] : memref<8192x1024xf32, #tpu.memory_space<hbm>> -> memref<16x1024xf32, #tpu.memory_space<hbm>>
    %dma_start3A_547 = arith.constant 0 : i32
    %dma_start3A_548 = arith.constant 0 : i32
    %dma_start3A_549 = tpu.memref_slice %arg3[%dma_start3A_537, %dma_start3A_547, %dma_start3A_548] : memref<4x8192x1024xf32, #tpu.memory_space<hbm>> -> memref<1x8192x1024xf32, #tpu.memory_space<hbm>>
    %dma_start3A_550 = tpu.memref_squeeze %dma_start3A_549 : memref<1x8192x1024xf32, #tpu.memory_space<hbm>> -> memref<8192x1024xf32, #tpu.memory_space<hbm>>
    %dma_start3A_551 = arith.constant 0 : i32
    %dma_start3A_552 = tpu.memref_slice %dma_start3A_550[%add3A_536, %dma_start3A_551] : memref<8192x1024xf32, #tpu.memory_space<hbm>> -> memref<16x1024xf32, #tpu.memory_space<hbm>>
    %dma_start3A_553 = arith.constant 0 : i32
    %dma_start3A_554 = arith.constant 0 : i32
    %dma_start3A_555 = tpu.memref_slice %arg9[%dma_start3A_553, %dma_start3A_554] : memref<48x1024xf32, #tpu.memory_space<vmem>> -> memref<16x1024xf32, #tpu.memory_space<vmem>>
    tpu.enqueue_dma source(%dma_start3A_555 : memref<16x1024xf32, #tpu.memory_space<vmem>>) target(%dma_start3A_552 : memref<16x1024xf32, #tpu.memory_space<hbm>>) target_semaphore(%arg11 : memref<!tpu.dma_semaphore, #tpu.memory_space<semaphore_mem>>)
    %add3A_556 = arith.constant 144 : i32
    %add3A_557 = arith.addi %add3A_4, %add3A_556 : i32
    %dma_start3A_558 = arith.constant 3 : i32
    %dma_start3A_559 = arith.constant 0 : i32
    %dma_start3A_560 = arith.constant 0 : i32
    %dma_start3A_561 = tpu.memref_slice %arg9[%dma_start3A_559, %dma_start3A_560] : memref<48x1024xf32, #tpu.memory_space<vmem>> -> memref<16x1024xf32, #tpu.memory_space<vmem>>
    %dma_start3A_562 = arith.constant 0 : i32
    %dma_start3A_563 = arith.constant 0 : i32
    %dma_start3A_564 = tpu.memref_slice %arg3[%dma_start3A_558, %dma_start3A_562, %dma_start3A_563] : memref<4x8192x1024xf32, #tpu.memory_space<hbm>> -> memref<1x8192x1024xf32, #tpu.memory_space<hbm>>
    %dma_start3A_565 = tpu.memref_squeeze %dma_start3A_564 : memref<1x8192x1024xf32, #tpu.memory_space<hbm>> -> memref<8192x1024xf32, #tpu.memory_space<hbm>>
    %dma_start3A_566 = arith.constant 0 : i32
    %dma_start3A_567 = tpu.memref_slice %dma_start3A_565[%add3A_557, %dma_start3A_566] : memref<8192x1024xf32, #tpu.memory_space<hbm>> -> memref<16x1024xf32, #tpu.memory_space<hbm>>
    %dma_start3A_568 = arith.constant 0 : i32
    %dma_start3A_569 = arith.constant 0 : i32
    %dma_start3A_570 = tpu.memref_slice %arg3[%dma_start3A_558, %dma_start3A_568, %dma_start3A_569] : memref<4x8192x1024xf32, #tpu.memory_space<hbm>> -> memref<1x8192x1024xf32, #tpu.memory_space<hbm>>
    %dma_start3A_571 = tpu.memref_squeeze %dma_start3A_570 : memref<1x8192x1024xf32, #tpu.memory_space<hbm>> -> memref<8192x1024xf32, #tpu.memory_space<hbm>>
    %dma_start3A_572 = arith.constant 0 : i32
    %dma_start3A_573 = tpu.memref_slice %dma_start3A_571[%add3A_557, %dma_start3A_572] : memref<8192x1024xf32, #tpu.memory_space<hbm>> -> memref<16x1024xf32, #tpu.memory_space<hbm>>
    %dma_start3A_574 = arith.constant 0 : i32
    %dma_start3A_575 = arith.constant 0 : i32
    %dma_start3A_576 = tpu.memref_slice %arg9[%dma_start3A_574, %dma_start3A_575] : memref<48x1024xf32, #tpu.memory_space<vmem>> -> memref<16x1024xf32, #tpu.memory_space<vmem>>
    tpu.enqueue_dma source(%dma_start3A_576 : memref<16x1024xf32, #tpu.memory_space<vmem>>) target(%dma_start3A_573 : memref<16x1024xf32, #tpu.memory_space<hbm>>) target_semaphore(%arg11 : memref<!tpu.dma_semaphore, #tpu.memory_space<semaphore_mem>>)
    %dma_wait3A_577 = arith.constant 0 : i32
    %dma_wait3A_578 = arith.constant 0 : i32
    %dma_wait3A_579 = arith.constant 0 : i32
    %dma_wait3A_580 = tpu.memref_slice %arg8[%dma_wait3A_578, %dma_wait3A_579] : memref<48x1024xf32, #tpu.memory_space<vmem>> -> memref<48x1024xf32, #tpu.memory_space<vmem>>
    %dma_wait3A_581 = arith.constant 0 : i32
    %dma_wait3A_582 = arith.constant 0 : i32
    %dma_wait3A_583 = tpu.memref_slice %arg3[%dma_wait3A_577, %dma_wait3A_581, %dma_wait3A_582] : memref<4x8192x1024xf32, #tpu.memory_space<hbm>> -> memref<1x8192x1024xf32, #tpu.memory_space<hbm>>
    %dma_wait3A_584 = tpu.memref_squeeze %dma_wait3A_583 : memref<1x8192x1024xf32, #tpu.memory_space<hbm>> -> memref<8192x1024xf32, #tpu.memory_space<hbm>>
    %dma_wait3A_585 = arith.constant 0 : i32
    %dma_wait3A_586 = tpu.memref_slice %dma_wait3A_584[%add3A_400, %dma_wait3A_585] : memref<8192x1024xf32, #tpu.memory_space<hbm>> -> memref<48x1024xf32, #tpu.memory_space<hbm>>
    %dma_wait3A_587 = arith.constant 0 : i32
    %dma_wait3A_588 = arith.constant 0 : i32
    %dma_wait3A_589 = tpu.memref_slice %arg3[%dma_wait3A_577, %dma_wait3A_587, %dma_wait3A_588] : memref<4x8192x1024xf32, #tpu.memory_space<hbm>> -> memref<1x8192x1024xf32, #tpu.memory_space<hbm>>
    %dma_wait3A_590 = tpu.memref_squeeze %dma_wait3A_589 : memref<1x8192x1024xf32, #tpu.memory_space<hbm>> -> memref<8192x1024xf32, #tpu.memory_space<hbm>>
    %dma_wait3A_591 = arith.constant 0 : i32
    %dma_wait3A_592 = tpu.memref_slice %dma_wait3A_590[%add3A_400, %dma_wait3A_591] : memref<8192x1024xf32, #tpu.memory_space<hbm>> -> memref<48x1024xf32, #tpu.memory_space<hbm>>
    %dma_wait3A_593 = arith.constant 0 : i32
    %dma_wait3A_594 = arith.constant 0 : i32
    %dma_wait3A_595 = tpu.memref_slice %arg8[%dma_wait3A_593, %dma_wait3A_594] : memref<48x1024xf32, #tpu.memory_space<vmem>> -> memref<48x1024xf32, #tpu.memory_space<vmem>>
    tpu.wait_dma2 semaphore(%arg11 : memref<!tpu.dma_semaphore, #tpu.memory_space<semaphore_mem>>) src(%dma_wait3A_595 : memref<48x1024xf32, #tpu.memory_space<vmem>>) dst(%dma_wait3A_592 : memref<48x1024xf32, #tpu.memory_space<hbm>>)
    %dma_wait3A_596 = arith.constant 1 : i32
    %dma_wait3A_597 = arith.constant 0 : i32
    %dma_wait3A_598 = arith.constant 0 : i32
    %dma_wait3A_599 = tpu.memref_slice %arg8[%dma_wait3A_597, %dma_wait3A_598] : memref<48x1024xf32, #tpu.memory_space<vmem>> -> memref<48x1024xf32, #tpu.memory_space<vmem>>
    %dma_wait3A_600 = arith.constant 0 : i32
    %dma_wait3A_601 = arith.constant 0 : i32
    %dma_wait3A_602 = tpu.memref_slice %arg3[%dma_wait3A_596, %dma_wait3A_600, %dma_wait3A_601] : memref<4x8192x1024xf32, #tpu.memory_space<hbm>> -> memref<1x8192x1024xf32, #tpu.memory_space<hbm>>
    %dma_wait3A_603 = tpu.memref_squeeze %dma_wait3A_602 : memref<1x8192x1024xf32, #tpu.memory_space<hbm>> -> memref<8192x1024xf32, #tpu.memory_space<hbm>>
    %dma_wait3A_604 = arith.constant 0 : i32
    %dma_wait3A_605 = tpu.memref_slice %dma_wait3A_603[%add3A_421, %dma_wait3A_604] : memref<8192x1024xf32, #tpu.memory_space<hbm>> -> memref<48x1024xf32, #tpu.memory_space<hbm>>
    %dma_wait3A_606 = arith.constant 0 : i32
    %dma_wait3A_607 = arith.constant 0 : i32
    %dma_wait3A_608 = tpu.memref_slice %arg3[%dma_wait3A_596, %dma_wait3A_606, %dma_wait3A_607] : memref<4x8192x1024xf32, #tpu.memory_space<hbm>> -> memref<1x8192x1024xf32, #tpu.memory_space<hbm>>
    %dma_wait3A_609 = tpu.memref_squeeze %dma_wait3A_608 : memref<1x8192x1024xf32, #tpu.memory_space<hbm>> -> memref<8192x1024xf32, #tpu.memory_space<hbm>>
    %dma_wait3A_610 = arith.constant 0 : i32
    %dma_wait3A_611 = tpu.memref_slice %dma_wait3A_609[%add3A_421, %dma_wait3A_610] : memref<8192x1024xf32, #tpu.memory_space<hbm>> -> memref<48x1024xf32, #tpu.memory_space<hbm>>
    %dma_wait3A_612 = arith.constant 0 : i32
    %dma_wait3A_613 = arith.constant 0 : i32
    %dma_wait3A_614 = tpu.memref_slice %arg8[%dma_wait3A_612, %dma_wait3A_613] : memref<48x1024xf32, #tpu.memory_space<vmem>> -> memref<48x1024xf32, #tpu.memory_space<vmem>>
    tpu.wait_dma2 semaphore(%arg11 : memref<!tpu.dma_semaphore, #tpu.memory_space<semaphore_mem>>) src(%dma_wait3A_614 : memref<48x1024xf32, #tpu.memory_space<vmem>>) dst(%dma_wait3A_611 : memref<48x1024xf32, #tpu.memory_space<hbm>>)
    %dma_wait3A_615 = arith.constant 2 : i32
    %dma_wait3A_616 = arith.constant 0 : i32
    %dma_wait3A_617 = arith.constant 0 : i32
    %dma_wait3A_618 = tpu.memref_slice %arg8[%dma_wait3A_616, %dma_wait3A_617] : memref<48x1024xf32, #tpu.memory_space<vmem>> -> memref<48x1024xf32, #tpu.memory_space<vmem>>
    %dma_wait3A_619 = arith.constant 0 : i32
    %dma_wait3A_620 = arith.constant 0 : i32
    %dma_wait3A_621 = tpu.memref_slice %arg3[%dma_wait3A_615, %dma_wait3A_619, %dma_wait3A_620] : memref<4x8192x1024xf32, #tpu.memory_space<hbm>> -> memref<1x8192x1024xf32, #tpu.memory_space<hbm>>
    %dma_wait3A_622 = tpu.memref_squeeze %dma_wait3A_621 : memref<1x8192x1024xf32, #tpu.memory_space<hbm>> -> memref<8192x1024xf32, #tpu.memory_space<hbm>>
    %dma_wait3A_623 = arith.constant 0 : i32
    %dma_wait3A_624 = tpu.memref_slice %dma_wait3A_622[%add3A_442, %dma_wait3A_623] : memref<8192x1024xf32, #tpu.memory_space<hbm>> -> memref<48x1024xf32, #tpu.memory_space<hbm>>
    %dma_wait3A_625 = arith.constant 0 : i32
    %dma_wait3A_626 = arith.constant 0 : i32
    %dma_wait3A_627 = tpu.memref_slice %arg3[%dma_wait3A_615, %dma_wait3A_625, %dma_wait3A_626] : memref<4x8192x1024xf32, #tpu.memory_space<hbm>> -> memref<1x8192x1024xf32, #tpu.memory_space<hbm>>
    %dma_wait3A_628 = tpu.memref_squeeze %dma_wait3A_627 : memref<1x8192x1024xf32, #tpu.memory_space<hbm>> -> memref<8192x1024xf32, #tpu.memory_space<hbm>>
    %dma_wait3A_629 = arith.constant 0 : i32
    %dma_wait3A_630 = tpu.memref_slice %dma_wait3A_628[%add3A_442, %dma_wait3A_629] : memref<8192x1024xf32, #tpu.memory_space<hbm>> -> memref<48x1024xf32, #tpu.memory_space<hbm>>
    %dma_wait3A_631 = arith.constant 0 : i32
    %dma_wait3A_632 = arith.constant 0 : i32
    %dma_wait3A_633 = tpu.memref_slice %arg8[%dma_wait3A_631, %dma_wait3A_632] : memref<48x1024xf32, #tpu.memory_space<vmem>> -> memref<48x1024xf32, #tpu.memory_space<vmem>>
    tpu.wait_dma2 semaphore(%arg11 : memref<!tpu.dma_semaphore, #tpu.memory_space<semaphore_mem>>) src(%dma_wait3A_633 : memref<48x1024xf32, #tpu.memory_space<vmem>>) dst(%dma_wait3A_630 : memref<48x1024xf32, #tpu.memory_space<hbm>>)
    %dma_wait3A_634 = arith.constant 3 : i32
    %dma_wait3A_635 = arith.constant 0 : i32
    %dma_wait3A_636 = arith.constant 0 : i32
    %dma_wait3A_637 = tpu.memref_slice %arg8[%dma_wait3A_635, %dma_wait3A_636] : memref<48x1024xf32, #tpu.memory_space<vmem>> -> memref<48x1024xf32, #tpu.memory_space<vmem>>
    %dma_wait3A_638 = arith.constant 0 : i32
    %dma_wait3A_639 = arith.constant 0 : i32
    %dma_wait3A_640 = tpu.memref_slice %arg3[%dma_wait3A_634, %dma_wait3A_638, %dma_wait3A_639] : memref<4x8192x1024xf32, #tpu.memory_space<hbm>> -> memref<1x8192x1024xf32, #tpu.memory_space<hbm>>
    %dma_wait3A_641 = tpu.memref_squeeze %dma_wait3A_640 : memref<1x8192x1024xf32, #tpu.memory_space<hbm>> -> memref<8192x1024xf32, #tpu.memory_space<hbm>>
    %dma_wait3A_642 = arith.constant 0 : i32
    %dma_wait3A_643 = tpu.memref_slice %dma_wait3A_641[%add3A_463, %dma_wait3A_642] : memref<8192x1024xf32, #tpu.memory_space<hbm>> -> memref<48x1024xf32, #tpu.memory_space<hbm>>
    %dma_wait3A_644 = arith.constant 0 : i32
    %dma_wait3A_645 = arith.constant 0 : i32
    %dma_wait3A_646 = tpu.memref_slice %arg3[%dma_wait3A_634, %dma_wait3A_644, %dma_wait3A_645] : memref<4x8192x1024xf32, #tpu.memory_space<hbm>> -> memref<1x8192x1024xf32, #tpu.memory_space<hbm>>
    %dma_wait3A_647 = tpu.memref_squeeze %dma_wait3A_646 : memref<1x8192x1024xf32, #tpu.memory_space<hbm>> -> memref<8192x1024xf32, #tpu.memory_space<hbm>>
    %dma_wait3A_648 = arith.constant 0 : i32
    %dma_wait3A_649 = tpu.memref_slice %dma_wait3A_647[%add3A_463, %dma_wait3A_648] : memref<8192x1024xf32, #tpu.memory_space<hbm>> -> memref<48x1024xf32, #tpu.memory_space<hbm>>
    %dma_wait3A_650 = arith.constant 0 : i32
    %dma_wait3A_651 = arith.constant 0 : i32
    %dma_wait3A_652 = tpu.memref_slice %arg8[%dma_wait3A_650, %dma_wait3A_651] : memref<48x1024xf32, #tpu.memory_space<vmem>> -> memref<48x1024xf32, #tpu.memory_space<vmem>>
    tpu.wait_dma2 semaphore(%arg11 : memref<!tpu.dma_semaphore, #tpu.memory_space<semaphore_mem>>) src(%dma_wait3A_652 : memref<48x1024xf32, #tpu.memory_space<vmem>>) dst(%dma_wait3A_649 : memref<48x1024xf32, #tpu.memory_space<hbm>>)
    %dma_wait3A_653 = arith.constant 0 : i32
    %dma_wait3A_654 = arith.constant 0 : i32
    %dma_wait3A_655 = arith.constant 0 : i32
    %dma_wait3A_656 = tpu.memref_slice %arg9[%dma_wait3A_654, %dma_wait3A_655] : memref<48x1024xf32, #tpu.memory_space<vmem>> -> memref<16x1024xf32, #tpu.memory_space<vmem>>
    %dma_wait3A_657 = arith.constant 0 : i32
    %dma_wait3A_658 = arith.constant 0 : i32
    %dma_wait3A_659 = tpu.memref_slice %arg3[%dma_wait3A_653, %dma_wait3A_657, %dma_wait3A_658] : memref<4x8192x1024xf32, #tpu.memory_space<hbm>> -> memref<1x8192x1024xf32, #tpu.memory_space<hbm>>
    %dma_wait3A_660 = tpu.memref_squeeze %dma_wait3A_659 : memref<1x8192x1024xf32, #tpu.memory_space<hbm>> -> memref<8192x1024xf32, #tpu.memory_space<hbm>>
    %dma_wait3A_661 = arith.constant 0 : i32
    %dma_wait3A_662 = tpu.memref_slice %dma_wait3A_660[%add3A_494, %dma_wait3A_661] : memref<8192x1024xf32, #tpu.memory_space<hbm>> -> memref<16x1024xf32, #tpu.memory_space<hbm>>
    %dma_wait3A_663 = arith.constant 0 : i32
    %dma_wait3A_664 = arith.constant 0 : i32
    %dma_wait3A_665 = tpu.memref_slice %arg3[%dma_wait3A_653, %dma_wait3A_663, %dma_wait3A_664] : memref<4x8192x1024xf32, #tpu.memory_space<hbm>> -> memref<1x8192x1024xf32, #tpu.memory_space<hbm>>
    %dma_wait3A_666 = tpu.memref_squeeze %dma_wait3A_665 : memref<1x8192x1024xf32, #tpu.memory_space<hbm>> -> memref<8192x1024xf32, #tpu.memory_space<hbm>>
    %dma_wait3A_667 = arith.constant 0 : i32
    %dma_wait3A_668 = tpu.memref_slice %dma_wait3A_666[%add3A_494, %dma_wait3A_667] : memref<8192x1024xf32, #tpu.memory_space<hbm>> -> memref<16x1024xf32, #tpu.memory_space<hbm>>
    %dma_wait3A_669 = arith.constant 0 : i32
    %dma_wait3A_670 = arith.constant 0 : i32
    %dma_wait3A_671 = tpu.memref_slice %arg9[%dma_wait3A_669, %dma_wait3A_670] : memref<48x1024xf32, #tpu.memory_space<vmem>> -> memref<16x1024xf32, #tpu.memory_space<vmem>>
    tpu.wait_dma2 semaphore(%arg11 : memref<!tpu.dma_semaphore, #tpu.memory_space<semaphore_mem>>) src(%dma_wait3A_671 : memref<16x1024xf32, #tpu.memory_space<vmem>>) dst(%dma_wait3A_668 : memref<16x1024xf32, #tpu.memory_space<hbm>>)
    %dma_wait3A_672 = arith.constant 1 : i32
    %dma_wait3A_673 = arith.constant 0 : i32
    %dma_wait3A_674 = arith.constant 0 : i32
    %dma_wait3A_675 = tpu.memref_slice %arg9[%dma_wait3A_673, %dma_wait3A_674] : memref<48x1024xf32, #tpu.memory_space<vmem>> -> memref<16x1024xf32, #tpu.memory_space<vmem>>
    %dma_wait3A_676 = arith.constant 0 : i32
    %dma_wait3A_677 = arith.constant 0 : i32
    %dma_wait3A_678 = tpu.memref_slice %arg3[%dma_wait3A_672, %dma_wait3A_676, %dma_wait3A_677] : memref<4x8192x1024xf32, #tpu.memory_space<hbm>> -> memref<1x8192x1024xf32, #tpu.memory_space<hbm>>
    %dma_wait3A_679 = tpu.memref_squeeze %dma_wait3A_678 : memref<1x8192x1024xf32, #tpu.memory_space<hbm>> -> memref<8192x1024xf32, #tpu.memory_space<hbm>>
    %dma_wait3A_680 = arith.constant 0 : i32
    %dma_wait3A_681 = tpu.memref_slice %dma_wait3A_679[%add3A_515, %dma_wait3A_680] : memref<8192x1024xf32, #tpu.memory_space<hbm>> -> memref<16x1024xf32, #tpu.memory_space<hbm>>
    %dma_wait3A_682 = arith.constant 0 : i32
    %dma_wait3A_683 = arith.constant 0 : i32
    %dma_wait3A_684 = tpu.memref_slice %arg3[%dma_wait3A_672, %dma_wait3A_682, %dma_wait3A_683] : memref<4x8192x1024xf32, #tpu.memory_space<hbm>> -> memref<1x8192x1024xf32, #tpu.memory_space<hbm>>
    %dma_wait3A_685 = tpu.memref_squeeze %dma_wait3A_684 : memref<1x8192x1024xf32, #tpu.memory_space<hbm>> -> memref<8192x1024xf32, #tpu.memory_space<hbm>>
    %dma_wait3A_686 = arith.constant 0 : i32
    %dma_wait3A_687 = tpu.memref_slice %dma_wait3A_685[%add3A_515, %dma_wait3A_686] : memref<8192x1024xf32, #tpu.memory_space<hbm>> -> memref<16x1024xf32, #tpu.memory_space<hbm>>
    %dma_wait3A_688 = arith.constant 0 : i32
    %dma_wait3A_689 = arith.constant 0 : i32
    %dma_wait3A_690 = tpu.memref_slice %arg9[%dma_wait3A_688, %dma_wait3A_689] : memref<48x1024xf32, #tpu.memory_space<vmem>> -> memref<16x1024xf32, #tpu.memory_space<vmem>>
    tpu.wait_dma2 semaphore(%arg11 : memref<!tpu.dma_semaphore, #tpu.memory_space<semaphore_mem>>) src(%dma_wait3A_690 : memref<16x1024xf32, #tpu.memory_space<vmem>>) dst(%dma_wait3A_687 : memref<16x1024xf32, #tpu.memory_space<hbm>>)
    %dma_wait3A_691 = arith.constant 2 : i32
    %dma_wait3A_692 = arith.constant 0 : i32
    %dma_wait3A_693 = arith.constant 0 : i32
    %dma_wait3A_694 = tpu.memref_slice %arg9[%dma_wait3A_692, %dma_wait3A_693] : memref<48x1024xf32, #tpu.memory_space<vmem>> -> memref<16x1024xf32, #tpu.memory_space<vmem>>
    %dma_wait3A_695 = arith.constant 0 : i32
    %dma_wait3A_696 = arith.constant 0 : i32
    %dma_wait3A_697 = tpu.memref_slice %arg3[%dma_wait3A_691, %dma_wait3A_695, %dma_wait3A_696] : memref<4x8192x1024xf32, #tpu.memory_space<hbm>> -> memref<1x8192x1024xf32, #tpu.memory_space<hbm>>
    %dma_wait3A_698 = tpu.memref_squeeze %dma_wait3A_697 : memref<1x8192x1024xf32, #tpu.memory_space<hbm>> -> memref<8192x1024xf32, #tpu.memory_space<hbm>>
    %dma_wait3A_699 = arith.constant 0 : i32
    %dma_wait3A_700 = tpu.memref_slice %dma_wait3A_698[%add3A_536, %dma_wait3A_699] : memref<8192x1024xf32, #tpu.memory_space<hbm>> -> memref<16x1024xf32, #tpu.memory_space<hbm>>
    %dma_wait3A_701 = arith.constant 0 : i32
    %dma_wait3A_702 = arith.constant 0 : i32
    %dma_wait3A_703 = tpu.memref_slice %arg3[%dma_wait3A_691, %dma_wait3A_701, %dma_wait3A_702] : memref<4x8192x1024xf32, #tpu.memory_space<hbm>> -> memref<1x8192x1024xf32, #tpu.memory_space<hbm>>
    %dma_wait3A_704 = tpu.memref_squeeze %dma_wait3A_703 : memref<1x8192x1024xf32, #tpu.memory_space<hbm>> -> memref<8192x1024xf32, #tpu.memory_space<hbm>>
    %dma_wait3A_705 = arith.constant 0 : i32
    %dma_wait3A_706 = tpu.memref_slice %dma_wait3A_704[%add3A_536, %dma_wait3A_705] : memref<8192x1024xf32, #tpu.memory_space<hbm>> -> memref<16x1024xf32, #tpu.memory_space<hbm>>
    %dma_wait3A_707 = arith.constant 0 : i32
    %dma_wait3A_708 = arith.constant 0 : i32
    %dma_wait3A_709 = tpu.memref_slice %arg9[%dma_wait3A_707, %dma_wait3A_708] : memref<48x1024xf32, #tpu.memory_space<vmem>> -> memref<16x1024xf32, #tpu.memory_space<vmem>>
    tpu.wait_dma2 semaphore(%arg11 : memref<!tpu.dma_semaphore, #tpu.memory_space<semaphore_mem>>) src(%dma_wait3A_709 : memref<16x1024xf32, #tpu.memory_space<vmem>>) dst(%dma_wait3A_706 : memref<16x1024xf32, #tpu.memory_space<hbm>>)
    %dma_wait3A_710 = arith.constant 3 : i32
    %dma_wait3A_711 = arith.constant 0 : i32
    %dma_wait3A_712 = arith.constant 0 : i32
    %dma_wait3A_713 = tpu.memref_slice %arg9[%dma_wait3A_711, %dma_wait3A_712] : memref<48x1024xf32, #tpu.memory_space<vmem>> -> memref<16x1024xf32, #tpu.memory_space<vmem>>
    %dma_wait3A_714 = arith.constant 0 : i32
    %dma_wait3A_715 = arith.constant 0 : i32
    %dma_wait3A_716 = tpu.memref_slice %arg3[%dma_wait3A_710, %dma_wait3A_714, %dma_wait3A_715] : memref<4x8192x1024xf32, #tpu.memory_space<hbm>> -> memref<1x8192x1024xf32, #tpu.memory_space<hbm>>
    %dma_wait3A_717 = tpu.memref_squeeze %dma_wait3A_716 : memref<1x8192x1024xf32, #tpu.memory_space<hbm>> -> memref<8192x1024xf32, #tpu.memory_space<hbm>>
    %dma_wait3A_718 = arith.constant 0 : i32
    %dma_wait3A_719 = tpu.memref_slice %dma_wait3A_717[%add3A_557, %dma_wait3A_718] : memref<8192x1024xf32, #tpu.memory_space<hbm>> -> memref<16x1024xf32, #tpu.memory_space<hbm>>
    %dma_wait3A_720 = arith.constant 0 : i32
    %dma_wait3A_721 = arith.constant 0 : i32
    %dma_wait3A_722 = tpu.memref_slice %arg3[%dma_wait3A_710, %dma_wait3A_720, %dma_wait3A_721] : memref<4x8192x1024xf32, #tpu.memory_space<hbm>> -> memref<1x8192x1024xf32, #tpu.memory_space<hbm>>
    %dma_wait3A_723 = tpu.memref_squeeze %dma_wait3A_722 : memref<1x8192x1024xf32, #tpu.memory_space<hbm>> -> memref<8192x1024xf32, #tpu.memory_space<hbm>>
    %dma_wait3A_724 = arith.constant 0 : i32
    %dma_wait3A_725 = tpu.memref_slice %dma_wait3A_723[%add3A_557, %dma_wait3A_724] : memref<8192x1024xf32, #tpu.memory_space<hbm>> -> memref<16x1024xf32, #tpu.memory_space<hbm>>
    %dma_wait3A_726 = arith.constant 0 : i32
    %dma_wait3A_727 = arith.constant 0 : i32
    %dma_wait3A_728 = tpu.memref_slice %arg9[%dma_wait3A_726, %dma_wait3A_727] : memref<48x1024xf32, #tpu.memory_space<vmem>> -> memref<16x1024xf32, #tpu.memory_space<vmem>>
    tpu.wait_dma2 semaphore(%arg11 : memref<!tpu.dma_semaphore, #tpu.memory_space<semaphore_mem>>) src(%dma_wait3A_728 : memref<16x1024xf32, #tpu.memory_space<vmem>>) dst(%dma_wait3A_725 : memref<16x1024xf32, #tpu.memory_space<hbm>>)
    return
  }
}

</mosaic_0001>

<sc_bundles>
// kernel: _broadcast_rows.3.cloned.1.call-start
scs
__scs_entry_jumppad:
0x0: {  	(pc) =	sbr.rel $0x88, $3  }
0x1: {  	(tag) =	ssettag $0x0;
	lr =	simm.s32 $0x1  }
0x2: {  	[smem:$0x3FA0] =	sst lr;
	_ =	strace $0xD0000000  }
0x3: {  	_ = 	snop  }
0x4: {  	_ = 	snop  }
0x5: {  	_ = 	snop  }
0x6: {  	_ = 	snop  }
0x7: {  	_ = 	snop  }
__scs_overlays_trampoline_lowered:
0x8: {  	[smem:$0x3FAF] =	sst s0  }
0x9: {  	[smem:$0x3FB0] =	sst s1  }
0xa: {  	[smem:$0x3FB1] =	sst s2  }
0xb: {  	[smem:$0x3FB2] =	sst s3  }
0xc: {  	[smem:$0x3FB3] =	sst s4  }
0xd: {  	[smem:$0x3FB4] =	sst s5  }
0xe: {  	[smem:$0x3FB5] =	sst s6  }
0xf: {  	[smem:$0x3FB6] =	sst s7  }
0x10: {  	[smem:$0x3FB7] =	sst s8  }
0x11: {  	[smem:$0x3FB8] =	sst s9;
	s0 =	simm.s32 @!p0 $0x0  }
0x12: {  	s1 =	sld [smem:$0x3F9E];
	s0 =	simm.s32 @p0 $0x1  }
0x13: {  	[smem:$0x3FB9] =	sst s0;
	s0 =	simm.s32 @!p1 $0x0  }
0x14: {  	s2 =	sld [smem:$0x3F9D];
	s0 =	simm.s32 @p1 $0x1  }
0x15: {  	[smem:$0x3FBA] =	sst s0;
	s0 =	simm.s32 @!p2 $0x0  }
0x16: {  	s3 =	sld [smem:$0x3FDB];
	s0 =	simm.s32 @p2 $0x1  }
0x17: {  	s4 =	simm.s32 $0x1BF5;
	[smem:$0x3FBC] =	sst s0  }
0x18: {  	s0 =	sld [smem:$0x3F9F];
	_ =	swait.ge [sflag:s4], $0x0  }
0x19: {  	s7 =	sld [smem:$0x3FA0]  }
0x1a: {  	s8 =	sadd.s32 $0xFFFFE003, lr  }
0x1b: {  	s9 =	sadd.s32 $0xFFFFFEF7, lr;
	s5 =	simm.s32 $0xFFFFFFFF;
	p2 =	slt.u32 s8, $0xFFFFF086  }
0x1c: {  	p1 =	slt.u32 s9, $0xF7A;
	s5 =	simm.s32 @!p2 $0x0  }
0x1d: {  	s5 =	simm.s32 @p1 $0x1;
	p0 =	seq.s32 s7, s2  }
0x1e: {  	s7 =	smul.u32 @!p0 $0xF7A, s2;
	p2 =	seq.s32 @!p0 s5, $0x0  }
0x1f: {  	s9 =	smul.u32 $0xF7A, s1;
	s8 =	simm.s32 @!p0 $0x1BF5;
	p2 =	por !p2, p0  }
0x20: {  	[sflag:s8] =	ssyncset.s32 @!p0 $0xFFFFF086;
	s6 =	sadd.s32 @!p0 s3, s7;
	s7 =	simm.s32 @!p0 $0x108  }
0x21: {  	s3 =	sadd.s32 s3, s9;
	s6 =	sadd.s32 @!p0 $0x88, s6;
	s7 =	simm.s32 @p2 $0x1082  }
0x22: {  	[simem:s7], [sflag:s8] =	dma.local @!p0 [hbm:s6], $0xF7A  }
0x23: {  	s9 =	sor.u32 $0xD0000000, s2;
	s6 =	simm.s32 $0x108;
	_ =	swait.ge @!p0 [sflag:s8], $0x0  }
0x24: {  	s3 =	sadd.s32 $0x88, s3;
	s6 =	simm.s32 @!p1 $0x1082;
	[sflag:s4] =	ssyncset.s32 $0xFFFFF086  }
0x25: {  	[simem:s6], [sflag:s4] =	dma.local [hbm:s3], $0xF7A  }
0x26: {  	[smem:$0x3FA0] =	sst s1;
	(tag) =	ssettag s2;
	_ =	strace s9  }
0x27: {  	s1 =	sld [smem:$0x3FB0]  }
0x28: {  	s2 =	sld [smem:$0x3FB1]  }
0x29: {  	s4 =	sld [smem:$0x3FB3]  }
0x2a: {  	p0 =	seq.s32 s5, $0x0;
	s5 =	sld [smem:$0x3FB4]  }
0x2b: {  	s6 =	sld [smem:$0x3FB5]  }
0x2c: {  	s7 =	sld [smem:$0x3FB6]  }
0x2d: {  	s3 =	simm.s32 $0x108;
	s8 =	sld [smem:$0x3FB7]  }
0x2e: {  	s3 =	simm.s32 @!p0 $0x1082;
	s9 =	sld [smem:$0x3FB8]  }
0x2f: {  	lr =	sadd.s32 s0, s3;
	s0 =	sld [smem:$0x3FAF]  }
0x30: {  	s3 =	sld [smem:$0x3FB2]  }
0x31: {  	[smem:$0x3FBB] =	sst s10  }
0x32: {  	s10 =	sld [smem:$0x3FB9];
	_ =	sdelay $0x3  }
0x33: {  	p0 =	seq.s32 s10, $0x1;
	s10 =	sld [smem:$0x3FBB];
	_ =	sdelay $0x3  }
0x34: {  	[smem:$0x3FBB] =	sst s10  }
0x35: {  	s10 =	sld [smem:$0x3FBA];
	_ =	sdelay $0x3  }
0x36: {  	p1 =	seq.s32 s10, $0x1;
	s10 =	sld [smem:$0x3FBB];
	_ =	sdelay $0x3  }
0x37: {  	[smem:$0x3FBB] =	sst s10  }
0x38: {  	s10 =	sld [smem:$0x3FBC]  }
0x39: {  	_ = 	snop;
	(pc) =	sbr.ind lr, $3  }
0x3a: {  	_ = 	snop  }
0x3b: {  	_ = 	snop  }
0x3c: {  	p2 =	seq.s32 s10, $0x1;
	s10 =	sld [smem:$0x3FBB]  }
0x3d: {  	_ =	shalt  }
0x3e: {  	_ =	shalt  }
0x3f: {  	_ =	shalt  }
0x40: {  	_ =	shalt  }
0x41: {  	_ =	shalt  }
0x42: {  	_ =	shalt  }
0x43: {  	_ =	shalt  }
0x44: {  	_ =	shalt  }
0x45: {  	_ =	shalt  }
0x46: {  	_ =	shalt  }
0x47: {  	_ =	shalt  }
0x48: {  	_ =	shalt  }
0x49: {  	_ =	shalt  }
0x4a: {  	_ =	shalt  }
0x4b: {  	_ =	shalt  }
0x4c: {  	_ =	shalt  }
0x4d: {  	_ =	shalt  }
0x4e: {  	_ =	shalt  }
0x4f: {  	_ =	shalt  }
0x50: {  	_ =	shalt  }
0x51: {  	_ =	shalt  }
0x52: {  	_ =	shalt  }
0x53: {  	_ =	shalt  }
0x54: {  	_ =	shalt  }
0x55: {  	_ =	shalt  }
0x56: {  	_ =	shalt  }
0x57: {  	_ =	shalt  }
0x58: {  	_ =	shalt  }
0x59: {  	_ =	shalt  }
0x5a: {  	_ =	shalt  }
0x5b: {  	_ =	shalt  }
0x5c: {  	_ =	shalt  }
0x5d: {  	_ =	shalt  }
0x5e: {  	_ =	shalt  }
0x5f: {  	_ =	shalt  }
0x60: {  	_ =	shalt  }
0x61: {  	_ =	shalt  }
0x62: {  	_ =	shalt  }
0x63: {  	_ =	shalt  }
0x64: {  	_ =	shalt  }
0x65: {  	_ =	shalt  }
0x66: {  	_ =	shalt  }
0x67: {  	_ =	shalt  }
0x68: {  	_ =	shalt  }
0x69: {  	_ =	shalt  }
0x6a: {  	_ =	shalt  }
0x6b: {  	_ =	shalt  }
0x6c: {  	_ =	shalt  }
0x6d: {  	_ =	shalt  }
0x6e: {  	_ =	shalt  }
0x6f: {  	_ =	shalt  }
0x70: {  	_ =	shalt  }
0x71: {  	_ =	shalt  }
0x72: {  	_ =	shalt  }
0x73: {  	_ =	shalt  }
0x74: {  	_ =	shalt  }
0x75: {  	_ =	shalt  }
0x76: {  	_ =	shalt  }
0x77: {  	_ =	shalt  }
0x78: {  	_ =	shalt  }
0x79: {  	_ =	shalt  }
0x7a: {  	_ =	shalt  }
0x7b: {  	_ =	shalt  }
0x7c: {  	_ =	shalt  }
0x7d: {  	_ =	shalt  }
0x7e: {  	_ =	shalt  }
0x7f: {  	_ =	shalt  }
0x80: {  	_ =	shalt  }
0x81: {  	_ =	shalt  }
0x82: {  	_ =	shalt  }
0x83: {  	_ =	shalt  }
0x84: {  	_ =	shalt  }
0x85: {  	_ =	shalt  }
0x86: {  	_ =	shalt  }
0x87: {  	_ =	shalt  }
.Lfunc_end0:
.L_simem_size_0:
called_computation_lowered:
.L_overlay_start_0:
0x88: {  	s1 =	sld [smem:$0x3FD9]  }
0x89: {  	s3 =	sld [smem:$0x3FFE];
	_ =	sdelay $0x1  }
0x8a: {  	s2 =	srdreg.scid  }
0x8b: {  	s0 =	sand.u32 $0x1, s2  }
0x8c: {  	s13 =	sshll.u32 s0, $0xA;
	s1 =	sadd.s32 s3, s1  }
0x8d: {  	s1 =	sadd.s32 s1, s13  }
0x8e: {  	[smem:$0x3FC7] =	sst s1  }
0x8f: {  	_ = 	snop  }
0x90: {  	s1 =	simm.s32 $0x0;
	s4 =	sld [smem:$0x3FC9]  }
0x91: {  	[smem:$0xF] =	sst s1  }
0x92: {  	s3 =	sld [smem:$0x3FD0];
	(tm) =	ssettm $0x1  }
0x93: {  	s5 =	sld [smem:$0x3FFB];
	_ =	sdelay $0x3  }
0x94: {  	_ =	strace s5  }
0x95: {  	s5 =	sld [smem:$0x3FFC];
	_ =	sdelay $0x3  }
0x96: {  	_ =	strace s5  }
0x97: {  	s5 =	sld [smem:$0x3FFD];
	_ =	sdelay $0x3  }
0x98: {  	_ =	strace s5  }
0x99: {  	_ =	strace $0x8FFFFFFF  }
0x9a: {  	s14 =	sld [smem:$0x3FDB];
	_ =	sdelay $0x2  }
0x9b: {  	s6 =	simm.s32 $_scs_section_size;
	s7 =	simm.s32 $_tile_overlayer_lowered  }
0x9c: {  	s15 =	simm.s32 $_size__tile_overlayer_lowered;
	s7 =	sshll.u32 s7, $0x1;
	s5 =	sadd.s32 s6, s14  }
0x9d: {  	s8 =	simm.s32 $0x1BFF;
	s6 =	sshll.u32 s15, $0x1;
	s7 =	sadd.s32 s7, s5  }
0x9e: {  	[timem:s1], [sflag:s8] =	dma.local [hbm:s7], s6  }
0x9f: {  	_ =	swait.ge [sflag:s8], s6  }
0xa0: {  	s6 =	ssub.s32 $0x0, s6;
	[sflag:s8] =	ssyncset.done $0x0  }
0xa1: {  	[sflag:s8] =	ssyncadd.s32 s6;
	_ =	sdelay $0x1  }
0xa2: {  	s16 =	simm.s32 $0x1B8B  }
0xa3: {  	_ =	swait.ge [sflag:s16], $0x1  }
0xa4: {  	[sflag:s16] =	ssyncset.done $0x0  }
0xa5: {  	s17 =	simm.s32 $0x1B8E;
	[sflag:s16] =	ssyncadd.s32 $0xFFFFFFFF  }
0xa6: {  	s18 =	simm.s32 $execute0_lowered;
	[smem:$0x3FD2] =	sst s17  }
0xa7: {  	s6 =	sshll.u32 s18, $0x1;
	_ =	strace $0x80000046;
	[dreg:$0x1] =	wrdreg $0xFFFFFFFF  }
0xa8: {  	s19 =	simm.s32 $_size_execute0_lowered;
	s5 =	sadd.s32 s5, s6;
	[dreg:$0x0] =	wrdreg $0x0  }
0xa9: {  	s6 =	sshll.u32 s19, $0x1;
	[dreg:$0x2] =	wrdreg s5  }
0xaa: {  	[dreg:$0x3] =	wrdreg s6  }
0xab: {  	[dreg:$0x4] =	wrdreg $0xC0  }
0xac: {  	_ =	task [dreg:s1], $0x5FFFF  }
0xad: {  	[dreg:$0x1] =	wrdreg $0xFFFFFFFF  }
0xae: {  	s20 =	ssub.s32 $0x0, s0;
	[dreg:$0x0] =	wrdreg $0x60  }
0xaf: {  	s11 =	sand.u32 $0x30000, s20;
	[dreg:$0x2] =	wrdreg s4  }
0xb0: {  	s12 =	sor.u32 $0x8000, s11;
	[dreg:$0x3] =	wrdreg s3  }
0xb1: {  	s21 =	sadd.s32 s12, s4;
	s7 =	simm.s32 $0xA;
	[dreg:$0x4] =	wrdreg $0x9  }
0xb2: {  	s5 =	sadd.s32 s11, s4;
	s6 =	simm.s32 $0x8000;
	_ =	task.clear_ibuf [dreg:s1], $0x5FFFF  }
0xb3: {  	[spmem:s1], [sflag:s7] =	dma.local [hbm:s5], $0x8000  }
0xb4: {  	[spmem:s6], [sflag:s7] =	dma.local [hbm:s21], $0x8000  }
0xb5: {  	_ =	swait.ge [sflag:s7], $0x8000  }
0xb6: {  	s22 =	sadd.s32 s11, s3;
	s8 =	sadd.s32 $0x100000, s3;
	[sflag:s7] =	ssyncset.done $0x0  }
0xb7: {  	s9 =	sadd.s32 s11, s8;
	s5 =	simm.s32 $0xB;
	[sflag:s7] =	ssyncadd.s32 $0xFFFF8000  }
0xb8: {  	[hbm:s22], [sflag:s5] =	dma.local [spmem:s1], $0x8000  }
0xb9: {  	[hbm:s9], [sflag:s5] =	dma.local [spmem:s1], $0x8000  }
0xba: {  	s9 =	sadd.s32 $0x200000, s3  }
0xbb: {  	s10 =	sadd.s32 s11, s9  }
0xbc: {  	[hbm:s10], [sflag:s5] =	dma.local [spmem:s1], $0x8000  }
0xbd: {  	s10 =	sadd.s32 $0x300000, s3  }
0xbe: {  	s13 =	sadd.s32 s11, s10  }
0xbf: {  	[hbm:s13], [sflag:s5] =	dma.local [spmem:s1], $0x8000  }
0xc0: {  	_ =	swait.ge [sflag:s5], $0x8000  }
0xc1: {  	[sflag:s5] =	ssyncset.done $0x0  }
0xc2: {  	[sflag:s5] =	ssyncadd.s32 $0xFFFF8000;
	_ =	sdelay $0x2  }
0xc3: {  	_ =	swait.ge [sflag:s5], $0x8000  }
0xc4: {  	[sflag:s5] =	ssyncset.done $0x0  }
0xc5: {  	[sflag:s5] =	ssyncadd.s32 $0xFFFF8000;
	_ =	sdelay $0x2  }
0xc6: {  	_ =	swait.ge [sflag:s5], $0x8000  }
0xc7: {  	[sflag:s5] =	ssyncset.done $0x0  }
0xc8: {  	[sflag:s5] =	ssyncadd.s32 $0xFFFF8000;
	_ =	sdelay $0x2  }
0xc9: {  	_ =	swait.ge [sflag:s5], $0x8000  }
0xca: {  	[sflag:s5] =	ssyncset.done $0x0  }
0xcb: {  	s23 =	sadd.s32 $0x10000, s11;
	[sflag:s5] =	ssyncadd.s32 $0xFFFF8000  }
0xcc: {  	s14 =	sadd.s32 s23, s4  }
0xcd: {  	[spmem:s1], [sflag:s7] =	dma.local [hbm:s14], $0x8000  }
0xce: {  	_ =	swait.ge [sflag:s7], $0x8000  }
0xcf: {  	s24 =	sadd.s32 s12, s3;
	s25 =	sadd.s32 s12, s8;
	[sflag:s7] =	ssyncset.done $0x0  }
0xd0: {  	s26 =	sadd.s32 s12, s9;
	s12 =	sadd.s32 s12, s10;
	[sflag:s7] =	ssyncadd.s32 $0xFFFF8000  }
0xd1: {  	[hbm:s24], [sflag:s5] =	dma.local [spmem:s6], $0x8000  }
0xd2: {  	[hbm:s25], [sflag:s5] =	dma.local [spmem:s6], $0x8000  }
0xd3: {  	[hbm:s26], [sflag:s5] =	dma.local [spmem:s6], $0x8000  }
0xd4: {  	[hbm:s12], [sflag:s5] =	dma.local [spmem:s6], $0x8000  }
0xd5: {  	_ =	swait.ge [sflag:s5], $0x8000  }
0xd6: {  	[sflag:s5] =	ssyncset.done $0x0  }
0xd7: {  	[sflag:s5] =	ssyncadd.s32 $0xFFFF8000;
	_ =	sdelay $0x2  }
0xd8: {  	_ =	swait.ge [sflag:s5], $0x8000  }
0xd9: {  	[sflag:s5] =	ssyncset.done $0x0  }
0xda: {  	[sflag:s5] =	ssyncadd.s32 $0xFFFF8000;
	_ =	sdelay $0x2  }
0xdb: {  	_ =	swait.ge [sflag:s5], $0x8000  }
0xdc: {  	[sflag:s5] =	ssyncset.done $0x0  }
0xdd: {  	[sflag:s5] =	ssyncadd.s32 $0xFFFF8000;
	_ =	sdelay $0x2  }
0xde: {  	_ =	swait.ge [sflag:s5], $0x8000  }
0xdf: {  	[sflag:s5] =	ssyncset.done $0x0  }
0xe0: {  	s28 =	sadd.s32 $0x18000, s11;
	[sflag:s5] =	ssyncadd.s32 $0xFFFF8000  }
0xe1: {  	s29 =	sadd.s32 s28, s4  }
0xe2: {  	[spmem:s6], [sflag:s7] =	dma.local [hbm:s29], $0x8000  }
0xe3: {  	_ =	swait.ge [sflag:s7], $0x8000  }
0xe4: {  	s30 =	sadd.s32 s23, s3;
	s31 =	sadd.s32 s23, s8;
	[sflag:s7] =	ssyncset.done $0x0  }
0xe5: {  	s15 =	sadd.s32 s23, s9;
	s13 =	sadd.s32 s23, s10;
	[sflag:s7] =	ssyncadd.s32 $0xFFFF8000  }
0xe6: {  	[hbm:s30], [sflag:s5] =	dma.local [spmem:s1], $0x8000  }
0xe7: {  	[hbm:s31], [sflag:s5] =	dma.local [spmem:s1], $0x8000  }
0xe8: {  	[hbm:s15], [sflag:s5] =	dma.local [spmem:s1], $0x8000  }
0xe9: {  	[hbm:s13], [sflag:s5] =	dma.local [spmem:s1], $0x8000  }
0xea: {  	_ =	swait.ge [sflag:s5], $0x8000  }
0xeb: {  	[sflag:s5] =	ssyncset.done $0x0  }
0xec: {  	[sflag:s5] =	ssyncadd.s32 $0xFFFF8000;
	_ =	sdelay $0x2  }
0xed: {  	_ =	swait.ge [sflag:s5], $0x8000  }
0xee: {  	[sflag:s5] =	ssyncset.done $0x0  }
0xef: {  	[sflag:s5] =	ssyncadd.s32 $0xFFFF8000;
	_ =	sdelay $0x2  }
0xf0: {  	_ =	swait.ge [sflag:s5], $0x8000  }
0xf1: {  	[sflag:s5] =	ssyncset.done $0x0  }
0xf2: {  	[sflag:s5] =	ssyncadd.s32 $0xFFFF8000;
	_ =	sdelay $0x2  }
0xf3: {  	_ =	swait.ge [sflag:s5], $0x8000  }
0xf4: {  	[sflag:s5] =	ssyncset.done $0x0  }
0xf5: {  	s16 =	sadd.s32 $0x20000, s11;
	[sflag:s5] =	ssyncadd.s32 $0xFFFF8000  }
0xf6: {  	s17 =	sadd.s32 s16, s4  }
0xf7: {  	[spmem:s1], [sflag:s7] =	dma.local [hbm:s17], $0x8000  }
0xf8: {  	_ =	swait.ge [sflag:s7], $0x8000  }
0xf9: {  	s18 =	sadd.s32 s28, s3;
	s19 =	sadd.s32 s28, s8;
	[sflag:s7] =	ssyncset.done $0x0  }
0xfa: {  	s20 =	sadd.s32 s28, s9;
	s12 =	sadd.s32 s28, s10;
	[sflag:s7] =	ssyncadd.s32 $0xFFFF8000  }
0xfb: {  	[hbm:s18], [sflag:s5] =	dma.local [spmem:s6], $0x8000  }
0xfc: {  	[hbm:s19], [sflag:s5] =	dma.local [spmem:s6], $0x8000  }
0xfd: {  	[hbm:s20], [sflag:s5] =	dma.local [spmem:s6], $0x8000  }
0xfe: {  	[hbm:s12], [sflag:s5] =	dma.local [spmem:s6], $0x8000  }
0xff: {  	_ =	swait.ge [sflag:s5], $0x8000  }
0x100: {  	[sflag:s5] =	ssyncset.done $0x0  }
0x101: {  	[sflag:s5] =	ssyncadd.s32 $0xFFFF8000;
	_ =	sdelay $0x2  }
0x102: {  	_ =	swait.ge [sflag:s5], $0x8000  }
0x103: {  	[sflag:s5] =	ssyncset.done $0x0  }
0x104: {  	[sflag:s5] =	ssyncadd.s32 $0xFFFF8000;
	_ =	sdelay $0x2  }
0x105: {  	_ =	swait.ge [sflag:s5], $0x8000  }
0x106: {  	[sflag:s5] =	ssyncset.done $0x0  }
0x107: {  	[sflag:s5] =	ssyncadd.s32 $0xFFFF8000;
	_ =	sdelay $0x2  }
0x108: {  	_ =	swait.ge [sflag:s5], $0x8000  }
0x109: {  	[sflag:s5] =	ssyncset.done $0x0  }
0x10a: {  	s11 =	sadd.s32 $0x28000, s11;
	[sflag:s5] =	ssyncadd.s32 $0xFFFF8000  }
0x10b: {  	s4 =	sadd.s32 s11, s4  }
0x10c: {  	[spmem:s6], [sflag:s7] =	dma.local [hbm:s4], $0x8000  }
0x10d: {  	_ =	swait.ge [sflag:s7], $0x8000  }
0x10e: {  	s21 =	sadd.s32 s16, s3;
	s22 =	sadd.s32 s16, s8;
	[sflag:s7] =	ssyncset.done $0x0  }
0x10f: {  	s23 =	sadd.s32 s16, s9;
	s24 =	sadd.s32 s16, s10;
	[sflag:s7] =	ssyncadd.s32 $0xFFFF8000  }
0x110: {  	[hbm:s21], [sflag:s5] =	dma.local [spmem:s1], $0x8000  }
0x111: {  	[hbm:s22], [sflag:s5] =	dma.local [spmem:s1], $0x8000  }
0x112: {  	[hbm:s23], [sflag:s5] =	dma.local [spmem:s1], $0x8000  }
0x113: {  	[hbm:s24], [sflag:s5] =	dma.local [spmem:s1], $0x8000  }
0x114: {  	_ =	swait.ge [sflag:s7], $0x8000  }
0x115: {  	s3 =	sadd.s32 s11, s3;
	s25 =	sadd.s32 s11, s8;
	[sflag:s7] =	ssyncset.done $0x0  }
0x116: {  	s26 =	sadd.s32 s11, s9;
	s28 =	sadd.s32 s11, s10;
	[sflag:s7] =	ssyncadd.s32 $0xFFFF8000  }
0x117: {  	[hbm:s3], [sflag:s5] =	dma.local [spmem:s6], $0x8000  }
0x118: {  	[hbm:s25], [sflag:s5] =	dma.local [spmem:s6], $0x8000  }
0x119: {  	[hbm:s26], [sflag:s5] =	dma.local [spmem:s6], $0x8000  }
0x11a: {  	[hbm:s28], [sflag:s5] =	dma.local [spmem:s6], $0x8000  }
0x11b: {  	_ =	swait.ge [sflag:s5], $0x8000  }
0x11c: {  	[sflag:s5] =	ssyncset.done $0x0  }
0x11d: {  	[sflag:s5] =	ssyncadd.s32 $0xFFFF8000;
	_ =	sdelay $0x2  }
0x11e: {  	_ =	swait.ge [sflag:s5], $0x8000  }
0x11f: {  	[sflag:s5] =	ssyncset.done $0x0  }
0x120: {  	[sflag:s5] =	ssyncadd.s32 $0xFFFF8000;
	_ =	sdelay $0x2  }
0x121: {  	_ =	swait.ge [sflag:s5], $0x8000  }
0x122: {  	[sflag:s5] =	ssyncset.done $0x0  }
0x123: {  	[sflag:s5] =	ssyncadd.s32 $0xFFFF8000;
	_ =	sdelay $0x2  }
0x124: {  	_ =	swait.ge [sflag:s5], $0x8000  }
0x125: {  	[sflag:s5] =	ssyncset.done $0x0  }
0x126: {  	[sflag:s5] =	ssyncadd.s32 $0xFFFF8000;
	_ =	sdelay $0x2  }
0x127: {  	_ =	swait.ge [sflag:s5], $0x8000  }
0x128: {  	[sflag:s5] =	ssyncset.done $0x0  }
0x129: {  	[sflag:s5] =	ssyncadd.s32 $0xFFFF8000;
	_ =	sdelay $0x2  }
0x12a: {  	_ =	swait.ge [sflag:s5], $0x8000  }
0x12b: {  	[sflag:s5] =	ssyncset.done $0x0  }
0x12c: {  	[sflag:s5] =	ssyncadd.s32 $0xFFFF8000;
	_ =	sdelay $0x2  }
0x12d: {  	_ =	swait.ge [sflag:s5], $0x8000  }
0x12e: {  	[sflag:s5] =	ssyncset.done $0x0  }
0x12f: {  	[sflag:s5] =	ssyncadd.s32 $0xFFFF8000;
	_ =	sdelay $0x2  }
0x130: {  	_ =	swait.ge [sflag:s5], $0x8000  }
0x131: {  	[sflag:s5] =	ssyncset.done $0x0  }
0x132: {  	[sflag:s5] =	ssyncadd.s32 $0xFFFF8000  }
0x133: {  	_ =	strace $0x90000046  }
0x134: {  	s29 =	simm.s32 $0x9;
	_ =	strace $0x80000048  }
0x135: {  	_ =	swait.ge [sflag:s29], $0x1  }
0x136: {  	[sflag:s29] =	ssyncadd.s32 $0xFFFFFFFF  }
0x137: {  	_ =	strace $0x90000048  }
0x138: {  	_ =	sfence  }
0x139: {  	s30 =	sld [smem:$0x0];
	_ =	sdelay $0x2  }
0x13a: {  	s31 =	sshll.u32 s2, $0xD;
	s2 =	sshrl.u32 s2, $0x2  }
0x13b: {  	s4 =	sand.u32 $0x4000, s31;
	s2 =	sadd.s32 s2, s30  }
0x13c: {  	s0 =	sor.u32 s4, s0;
	s2 =	sshll.u32 s2, $0x11  }
0x13d: {  	s0 =	sor.u32 s2, s0  }
0x13e: {  	s0 =	sadd.s32 $0x8F2B, s0  }
0x13f: {  	[sflag:s0] =	ssyncadd.remote.s32 $0x1  }
0x140: {  	_ =	sfence.sel $0xFFFF  }
0x141: {  	[dreg:$0x0] =	wrdreg $0xFFFFFFFF;
	(pc) =	sbr.abs _section_cstart, $3  }
0x142: {  	[dreg:$0x1] =	wrdreg $0xFFFFFFFF  }
0x143: {  	_ =	task.clear_ibuf [dreg:s1], $0x2FFFF;
	_ =	strace $0x9FFFFFFF  }
0x144: {  	(tm) =	ssettm $0x7FFFFFFF  }
0x145: {  	_ =	shalt  }
tec
execute0_lowered:
.L_overlay_start_1:
0x0: {  	(tag) =	ssettag $0x1  }
0x1: {  	s0 =	srdreg.scid;
	s3 =	rddreg [dreg:$0x0]  }
0x2: {  	s24 =	stileid.u32;
	s6 =	rddreg [dreg:$0x1]  }
0x3: {  	s25 =	rddreg [dreg:$0x2];
	s2 =	simm.s32 $0x0;
	s12 =	simm.s32 $0x8000  }
0x4: {  	s8 =	simm.s32 $0x14000;
	s0 =	sand.u32 $0x1, s0;
	s1 =	sshll.u32 s24, $0x1  }
0x5: {  	s11 =	simm.s32 $0x1;
	p0 =	por $0x0, $0x0;
	s1 =	sor.u32 s0, s1  }
0x6: {  	[smem:$0x7FF] =	sst s2;
	s0 =	ssub.s32 $0x2, s0;
	s1 =	smul.u32 $0x28000, s1  }
0x7: {  	s30 =	sadd.s32 $0x100000, s6;
	_ =	strace $0x80000047;
	s4 =	sshrl.u32 s0, $0x1  }
0x8: {  	s0 =	ssub.s32 s0, s4;
	s4 =	sadd.s32 $0x300000, s6;
	s1 =	sshrl.u32 s1, $0x3  }
0x9: {  	s0 =	smax.u32 s0, $0x1;
	s18 =	sadd.s32 $0x60000, s1;
	s15 =	sadd.s32 $0x61800, s1  }
0xa: {  	s9 =	sadd.s32 $0x63000, s1;
	s7 =	sadd.s32 $0x64800, s1;
	p1 =	sne.s32 s0, $0x1  }
0xb: {  	s0 =	sadd.s32 $0xFFFFFFFF, s0;
	s5 =	sadd.s32 s3, s18;
	s20 =	sadd.s32 s3, s15  }
.Ltmp0:
0xc: {  	s19 =	sadd.s32 s6, s18;
	s17 =	sadd.s32 s3, s9;
	(pc) =	sbr.rel @!p1 .LBB2_5-.Ltmp0, $4  }
0xd: {  	s16 =	sadd.s32 s6, s15;
	s14 =	sadd.s32 s3, s7;
	s13 =	sadd.s32 s6, s9  }
0xe: {  	s10 =	sadd.s32 s6, s7;
	s21 =	sadd.s32 s18, s30;
	s23 =	sadd.s32 s18, s4  }
0xf: {  	s3 =	simm.s32 $0x2;
	[dreg:$0x3] =	wrdreg s5;
	s5 =	sadd.s32 $0x200000, s6  }
0x10: {  	s22 =	sadd.s32 s18, s5;
	s18 =	sadd.s32 s15, s30;
	s6 =	rddreg [dreg:$0x3]  }
0x11: {  	[tilespmem:s12], [sflag:$0x1] =	stream.linear.gather [hbm4b:s6+s2], $0xC000, $0x38;
	v63 =	vld [tilespmem:$0x0]  }
0x12: {  	_ = 	snop  }
0x13: {  	[tilespmem:s8], [sflag:$0x1] =	stream.linear.gather [hbm4b:s20+s2], $0xC000, $0x38;
	v63 =	vld [tilespmem:$0x0]  }
0x14: {  	_ =	swait.ge [sflag:s11], $0xC000  }
0x15: {  	[sflag:s11] =	ssyncset.done $0x0  }
0x16: {  	[sflag:s11] =	ssyncadd.s32 $0xFFFF4000  }
0x17: {  	[hbm4b:s19+s2] =	stream.linear.scatter [tilespmem:s12], [sflag:$0x2], $0xC000, $0x38;
	v63 =	vld [tilespmem:$0x0]  }
0x18: {  	_ = 	snop  }
0x19: {  	[hbm4b:s21+s2] =	stream.linear.scatter [tilespmem:s12], [sflag:$0x2], $0xC000, $0x38;
	v63 =	vld [tilespmem:$0x0]  }
0x1a: {  	_ = 	snop  }
0x1b: {  	[hbm4b:s22+s2] =	stream.linear.scatter [tilespmem:s12], [sflag:$0x2], $0xC000, $0x38;
	v63 =	vld [tilespmem:$0x0]  }
0x1c: {  	_ = 	snop  }
0x1d: {  	[hbm4b:s23+s2] =	stream.linear.scatter [tilespmem:s12], [sflag:$0x2], $0xC000, $0x38;
	v63 =	vld [tilespmem:$0x0]  }
0x1e: {  	_ =	swait.ge [sflag:s3], $0xC000  }
0x1f: {  	[sflag:s3] =	ssyncset.done $0x0  }
0x20: {  	[sflag:s3] =	ssyncadd.s32 $0xFFFF4000  }
0x21: {  	_ =	swait.ge [sflag:s3], $0xC000  }
0x22: {  	[sflag:s3] =	ssyncset.done $0x0  }
0x23: {  	[sflag:s3] =	ssyncadd.s32 $0xFFFF4000  }
0x24: {  	_ =	swait.ge [sflag:s3], $0xC000  }
0x25: {  	[sflag:s3] =	ssyncset.done $0x0  }
0x26: {  	[sflag:s3] =	ssyncadd.s32 $0xFFFF4000  }
0x27: {  	_ =	swait.ge [sflag:s3], $0xC000  }
0x28: {  	[sflag:s3] =	ssyncset.done $0x0  }
0x29: {  	[sflag:s3] =	ssyncadd.s32 $0xFFFF4000  }
0x2a: {  	[tilespmem:s12], [sflag:$0x1] =	stream.linear.gather [hbm4b:s17+s2], $0xC000, $0x38;
	v63 =	vld [tilespmem:$0x0]  }
0x2b: {  	_ =	swait.ge [sflag:s11], $0xC000  }
0x2c: {  	[sflag:s11] =	ssyncset.done $0x0  }
0x2d: {  	[sflag:s11] =	ssyncadd.s32 $0xFFFF4000  }
0x2e: {  	[hbm4b:s16+s2] =	stream.linear.scatter [tilespmem:s8], [sflag:$0x2], $0xC000, $0x38;
	v63 =	vld [tilespmem:$0x0]  }
0x2f: {  	_ = 	snop  }
0x30: {  	[hbm4b:s18+s2] =	stream.linear.scatter [tilespmem:s8], [sflag:$0x2], $0xC000, $0x38;
	v63 =	vld [tilespmem:$0x0]  }
0x31: {  	s24 =	sadd.s32 s15, s5  }
0x32: {  	[hbm4b:s24+s2] =	stream.linear.scatter [tilespmem:s8], [sflag:$0x2], $0xC000, $0x38;
	v63 =	vld [tilespmem:$0x0]  }
0x33: {  	s25 =	sadd.s32 s15, s4  }
0x34: {  	[hbm4b:s25+s2] =	stream.linear.scatter [tilespmem:s8], [sflag:$0x2], $0xC000, $0x38;
	v63 =	vld [tilespmem:$0x0]  }
0x35: {  	_ =	swait.ge [sflag:s3], $0xC000  }
0x36: {  	[sflag:s3] =	ssyncset.done $0x0  }
0x37: {  	[sflag:s3] =	ssyncadd.s32 $0xFFFF4000  }
0x38: {  	_ =	swait.ge [sflag:s3], $0xC000  }
0x39: {  	[sflag:s3] =	ssyncset.done $0x0  }
0x3a: {  	[sflag:s3] =	ssyncadd.s32 $0xFFFF4000  }
0x3b: {  	_ =	swait.ge [sflag:s3], $0xC000  }
0x3c: {  	[sflag:s3] =	ssyncset.done $0x0  }
0x3d: {  	[sflag:s3] =	ssyncadd.s32 $0xFFFF4000  }
0x3e: {  	_ =	swait.ge [sflag:s3], $0xC000  }
0x3f: {  	[sflag:s3] =	ssyncset.done $0x0  }
0x40: {  	[sflag:s3] =	ssyncadd.s32 $0xFFFF4000  }
0x41: {  	[tilespmem:s8], [sflag:$0x1] =	stream.linear.gather [hbm4b:s14+s2], $0x4000, $0x38;
	v63 =	vld [tilespmem:$0x0]  }
0x42: {  	_ =	swait.ge [sflag:s11], $0xC000  }
0x43: {  	[sflag:s11] =	ssyncset.done $0x0  }
0x44: {  	[sflag:s11] =	ssyncadd.s32 $0xFFFF4000  }
0x45: {  	[hbm4b:s13+s2] =	stream.linear.scatter [tilespmem:s12], [sflag:$0x2], $0xC000, $0x38;
	v63 =	vld [tilespmem:$0x0]  }
0x46: {  	s26 =	sadd.s32 s9, s30  }
0x47: {  	[hbm4b:s26+s2] =	stream.linear.scatter [tilespmem:s12], [sflag:$0x2], $0xC000, $0x38;
	v63 =	vld [tilespmem:$0x0]  }
0x48: {  	s28 =	sadd.s32 s9, s5  }
0x49: {  	[hbm4b:s28+s2] =	stream.linear.scatter [tilespmem:s12], [sflag:$0x2], $0xC000, $0x38;
	v63 =	vld [tilespmem:$0x0]  }
0x4a: {  	s29 =	sadd.s32 s9, s4  }
0x4b: {  	[hbm4b:s29+s2] =	stream.linear.scatter [tilespmem:s12], [sflag:$0x2], $0xC000, $0x38;
	v63 =	vld [tilespmem:$0x0]  }
0x4c: {  	_ =	swait.ge [sflag:s11], $0x4000  }
0x4d: {  	[sflag:s11] =	ssyncset.done $0x0  }
0x4e: {  	[sflag:s11] =	ssyncadd.s32 $0xFFFFC000  }
0x4f: {  	[hbm4b:s10+s2] =	stream.linear.scatter [tilespmem:s8], [sflag:$0x2], $0x4000, $0x38;
	v63 =	vld [tilespmem:$0x0]  }
0x50: {  	[dreg:$0x4] =	wrdreg s30;
	s30 =	sadd.s32 s7, s30  }
0x51: {  	[hbm4b:s30+s2] =	stream.linear.scatter [tilespmem:s8], [sflag:$0x2], $0x4000, $0x38;
	v63 =	vld [tilespmem:$0x0]  }
0x52: {  	s31 =	sadd.s32 s7, s5  }
0x53: {  	[hbm4b:s31+s2] =	stream.linear.scatter [tilespmem:s8], [sflag:$0x2], $0x4000, $0x38;
	v63 =	vld [tilespmem:$0x0]  }
0x54: {  	s1 =	sadd.s32 s7, s4  }
0x55: {  	[hbm4b:s1+s2] =	stream.linear.scatter [tilespmem:s8], [sflag:$0x2], $0x4000, $0x38;
	v63 =	vld [tilespmem:$0x0]  }
0x56: {  	_ =	swait.ge [sflag:s3], $0xC000  }
0x57: {  	[sflag:s3] =	ssyncset.done $0x0  }
0x58: {  	[sflag:s3] =	ssyncadd.s32 $0xFFFF4000  }
0x59: {  	_ =	swait.ge [sflag:s3], $0xC000  }
0x5a: {  	[sflag:s3] =	ssyncset.done $0x0  }
0x5b: {  	[sflag:s3] =	ssyncadd.s32 $0xFFFF4000  }
0x5c: {  	_ =	swait.ge [sflag:s3], $0xC000  }
0x5d: {  	[sflag:s3] =	ssyncset.done $0x0  }
0x5e: {  	[sflag:s3] =	ssyncadd.s32 $0xFFFF4000  }
0x5f: {  	_ =	swait.ge [sflag:s3], $0xC000  }
0x60: {  	[sflag:s3] =	ssyncset.done $0x0  }
0x61: {  	[sflag:s3] =	ssyncadd.s32 $0xFFFF4000  }
0x62: {  	_ =	swait.ge [sflag:s3], $0x4000  }
0x63: {  	[sflag:s3] =	ssyncset.done $0x0  }
0x64: {  	[sflag:s3] =	ssyncadd.s32 $0xFFFFC000  }
0x65: {  	_ =	swait.ge [sflag:s3], $0x4000  }
0x66: {  	[sflag:s3] =	ssyncset.done $0x0  }
0x67: {  	p1 =	sne.s32 s0, $0x1;
	[sflag:s3] =	ssyncadd.s32 $0xFFFFC000  }
.Ltmp1:
0x68: {  	_ =	swait.ge [sflag:s3], $0x4000;
	(pc) =	sbr.rel @!p1 .LBB2_2-.Ltmp1, $4  }
0x69: {  	[sflag:s3] =	ssyncset.done $0x0  }
0x6a: {  	[sflag:s3] =	ssyncadd.s32 $0xFFFFC000  }
0x6b: {  	s0 =	sadd.s32 $0xFFFFFFFF, s0;
	_ =	swait.ge [sflag:s3], $0x4000  }
0x6c: {  	p0 =	por $0x1, $0x1;
	s6 =	rddreg [dreg:$0x3];
	[sflag:s3] =	ssyncset.done $0x0  }
.LBB2_3:
0x6d: {  	[sflag:s3] =	ssyncadd.s32 $0xFFFFC000  }
0x6e: {  	[tilespmem:s12], [sflag:$0x1] =	stream.linear.gather [hbm4b:s6+s2], $0xC000, $0x38;
	v63 =	vld [tilespmem:$0x0]  }
0x6f: {  	_ = 	snop  }
0x70: {  	[tilespmem:s8], [sflag:$0x1] =	stream.linear.gather [hbm4b:s20+s2], $0xC000, $0x38;
	v63 =	vld [tilespmem:$0x0]  }
0x71: {  	_ =	swait.ge [sflag:s11], $0xC000  }
0x72: {  	[sflag:s11] =	ssyncset.done $0x0  }
0x73: {  	[sflag:s11] =	ssyncadd.s32 $0xFFFF4000  }
0x74: {  	[hbm4b:s19+s2] =	stream.linear.scatter [tilespmem:s12], [sflag:$0x2], $0xC000, $0x38;
	v63 =	vld [tilespmem:$0x0]  }
0x75: {  	_ = 	snop  }
0x76: {  	[hbm4b:s21+s2] =	stream.linear.scatter [tilespmem:s12], [sflag:$0x2], $0xC000, $0x38;
	v63 =	vld [tilespmem:$0x0]  }
0x77: {  	_ = 	snop  }
0x78: {  	[hbm4b:s22+s2] =	stream.linear.scatter [tilespmem:s12], [sflag:$0x2], $0xC000, $0x38;
	v63 =	vld [tilespmem:$0x0]  }
0x79: {  	_ = 	snop  }
0x7a: {  	[hbm4b:s23+s2] =	stream.linear.scatter [tilespmem:s12], [sflag:$0x2], $0xC000, $0x38;
	v63 =	vld [tilespmem:$0x0]  }
0x7b: {  	_ =	swait.ge [sflag:s3], $0xC000  }
0x7c: {  	[sflag:s3] =	ssyncset.done $0x0  }
0x7d: {  	[sflag:s3] =	ssyncadd.s32 $0xFFFF4000  }
0x7e: {  	_ =	swait.ge [sflag:s3], $0xC000  }
0x7f: {  	[sflag:s3] =	ssyncset.done $0x0  }
0x80: {  	[sflag:s3] =	ssyncadd.s32 $0xFFFF4000  }
0x81: {  	_ =	swait.ge [sflag:s3], $0xC000  }
0x82: {  	[sflag:s3] =	ssyncset.done $0x0  }
0x83: {  	[sflag:s3] =	ssyncadd.s32 $0xFFFF4000  }
0x84: {  	_ =	swait.ge [sflag:s3], $0xC000  }
0x85: {  	[sflag:s3] =	ssyncset.done $0x0  }
0x86: {  	[sflag:s3] =	ssyncadd.s32 $0xFFFF4000  }
0x87: {  	[tilespmem:s12], [sflag:$0x1] =	stream.linear.gather [hbm4b:s17+s2], $0xC000, $0x38;
	v63 =	vld [tilespmem:$0x0]  }
0x88: {  	_ =	swait.ge [sflag:s11], $0xC000  }
0x89: {  	[sflag:s11] =	ssyncset.done $0x0  }
0x8a: {  	[sflag:s11] =	ssyncadd.s32 $0xFFFF4000  }
0x8b: {  	[hbm4b:s16+s2] =	stream.linear.scatter [tilespmem:s8], [sflag:$0x2], $0xC000, $0x38;
	v63 =	vld [tilespmem:$0x0]  }
0x8c: {  	_ = 	snop  }
0x8d: {  	[hbm4b:s18+s2] =	stream.linear.scatter [tilespmem:s8], [sflag:$0x2], $0xC000, $0x38;
	v63 =	vld [tilespmem:$0x0]  }
0x8e: {  	_ = 	snop  }
0x8f: {  	[hbm4b:s24+s2] =	stream.linear.scatter [tilespmem:s8], [sflag:$0x2], $0xC000, $0x38;
	v63 =	vld [tilespmem:$0x0]  }
0x90: {  	_ = 	snop  }
0x91: {  	[hbm4b:s25+s2] =	stream.linear.scatter [tilespmem:s8], [sflag:$0x2], $0xC000, $0x38;
	v63 =	vld [tilespmem:$0x0]  }
0x92: {  	_ =	swait.ge [sflag:s3], $0xC000  }
0x93: {  	[sflag:s3] =	ssyncset.done $0x0  }
0x94: {  	[sflag:s3] =	ssyncadd.s32 $0xFFFF4000  }
0x95: {  	_ =	swait.ge [sflag:s3], $0xC000  }
0x96: {  	[sflag:s3] =	ssyncset.done $0x0  }
0x97: {  	[sflag:s3] =	ssyncadd.s32 $0xFFFF4000  }
0x98: {  	_ =	swait.ge [sflag:s3], $0xC000  }
0x99: {  	[sflag:s3] =	ssyncset.done $0x0  }
0x9a: {  	[sflag:s3] =	ssyncadd.s32 $0xFFFF4000  }
0x9b: {  	_ =	swait.ge [sflag:s3], $0xC000  }
0x9c: {  	[sflag:s3] =	ssyncset.done $0x0  }
0x9d: {  	[sflag:s3] =	ssyncadd.s32 $0xFFFF4000  }
0x9e: {  	[tilespmem:s8], [sflag:$0x1] =	stream.linear.gather [hbm4b:s14+s2], $0x4000, $0x38;
	v63 =	vld [tilespmem:$0x0]  }
0x9f: {  	_ =	swait.ge [sflag:s11], $0xC000  }
0xa0: {  	[sflag:s11] =	ssyncset.done $0x0  }
0xa1: {  	[sflag:s11] =	ssyncadd.s32 $0xFFFF4000  }
0xa2: {  	[hbm4b:s13+s2] =	stream.linear.scatter [tilespmem:s12], [sflag:$0x2], $0xC000, $0x38;
	v63 =	vld [tilespmem:$0x0]  }
0xa3: {  	_ = 	snop  }
0xa4: {  	[hbm4b:s26+s2] =	stream.linear.scatter [tilespmem:s12], [sflag:$0x2], $0xC000, $0x38;
	v63 =	vld [tilespmem:$0x0]  }
0xa5: {  	_ = 	snop  }
0xa6: {  	[hbm4b:s28+s2] =	stream.linear.scatter [tilespmem:s12], [sflag:$0x2], $0xC000, $0x38;
	v63 =	vld [tilespmem:$0x0]  }
0xa7: {  	_ = 	snop  }
0xa8: {  	[hbm4b:s29+s2] =	stream.linear.scatter [tilespmem:s12], [sflag:$0x2], $0xC000, $0x38;
	v63 =	vld [tilespmem:$0x0]  }
0xa9: {  	_ =	swait.ge [sflag:s11], $0x4000  }
0xaa: {  	[sflag:s11] =	ssyncset.done $0x0  }
0xab: {  	[sflag:s11] =	ssyncadd.s32 $0xFFFFC000  }
0xac: {  	[hbm4b:s10+s2] =	stream.linear.scatter [tilespmem:s8], [sflag:$0x2], $0x4000, $0x38;
	v63 =	vld [tilespmem:$0x0]  }
0xad: {  	_ = 	snop  }
0xae: {  	[hbm4b:s30+s2] =	stream.linear.scatter [tilespmem:s8], [sflag:$0x2], $0x4000, $0x38;
	v63 =	vld [tilespmem:$0x0]  }
0xaf: {  	_ = 	snop  }
0xb0: {  	[hbm4b:s31+s2] =	stream.linear.scatter [tilespmem:s8], [sflag:$0x2], $0x4000, $0x38;
	v63 =	vld [tilespmem:$0x0]  }
0xb1: {  	_ = 	snop  }
0xb2: {  	[hbm4b:s1+s2] =	stream.linear.scatter [tilespmem:s8], [sflag:$0x2], $0x4000, $0x38;
	v63 =	vld [tilespmem:$0x0]  }
0xb3: {  	_ =	swait.ge [sflag:s3], $0xC000  }
0xb4: {  	[sflag:s3] =	ssyncset.done $0x0  }
0xb5: {  	[sflag:s3] =	ssyncadd.s32 $0xFFFF4000  }
0xb6: {  	_ =	swait.ge [sflag:s3], $0xC000  }
0xb7: {  	[sflag:s3] =	ssyncset.done $0x0  }
0xb8: {  	[sflag:s3] =	ssyncadd.s32 $0xFFFF4000  }
0xb9: {  	_ =	swait.ge [sflag:s3], $0xC000  }
0xba: {  	[sflag:s3] =	ssyncset.done $0x0  }
0xbb: {  	[sflag:s3] =	ssyncadd.s32 $0xFFFF4000  }
0xbc: {  	_ =	swait.ge [sflag:s3], $0xC000  }
0xbd: {  	[sflag:s3] =	ssyncset.done $0x0  }
0xbe: {  	[sflag:s3] =	ssyncadd.s32 $0xFFFF4000  }
0xbf: {  	_ =	swait.ge [sflag:s3], $0x4000  }
0xc0: {  	[sflag:s3] =	ssyncset.done $0x0  }
0xc1: {  	[sflag:s3] =	ssyncadd.s32 $0xFFFFC000  }
0xc2: {  	_ =	swait.ge [sflag:s3], $0x4000  }
0xc3: {  	[sflag:s3] =	ssyncset.done $0x0  }
0xc4: {  	p1 =	sne.s32 s0, $0x1;
	[sflag:s3] =	ssyncadd.s32 $0xFFFFC000  }
.Ltmp2:
0xc5: {  	_ =	swait.ge [sflag:s3], $0x4000;
	(pc) =	sbr.rel @p1 .LBB2_3-.Ltmp2, $4  }
0xc6: {  	[sflag:s3] =	ssyncset.done $0x0  }
0xc7: {  	[sflag:s3] =	ssyncadd.s32 $0xFFFFC000  }
0xc8: {  	_ =	swait.ge [sflag:s3], $0x4000  }
0xc9: {  	s0 =	sadd.s32 $0xFFFFFFFF, s0;
	s6 =	rddreg [dreg:$0x3];
	[sflag:s3] =	ssyncset.done $0x0  }
0xca: {  	s25 =	rddreg [dreg:$0x2]  }
0xcb: {  	s24 =	stileid.u32;
	s30 =	rddreg [dreg:$0x4]  }
.LBB2_5:
0xcc: {  	[sflag:s3] =	ssyncadd.s32 @p0 $0xFFFFC000  }
0xcd: {  	[tilespmem:s12], [sflag:$0x1] =	stream.linear.gather [hbm4b:s6+s2], $0xC000, $0x38;
	v63 =	vld [tilespmem:$0x0]  }
0xce: {  	_ = 	snop  }
0xcf: {  	[tilespmem:s8], [sflag:$0x1] =	stream.linear.gather [hbm4b:s20+s2], $0xC000, $0x38;
	v63 =	vld [tilespmem:$0x0]  }
0xd0: {  	_ =	swait.ge [sflag:s11], $0xC000  }
0xd1: {  	[sflag:s11] =	ssyncset.done $0x0  }
0xd2: {  	[sflag:s11] =	ssyncadd.s32 $0xFFFF4000  }
0xd3: {  	[hbm4b:s19+s2] =	stream.linear.scatter [tilespmem:s12], [sflag:$0x2], $0xC000, $0x38;
	v63 =	vld [tilespmem:$0x0]  }
0xd4: {  	_ = 	snop  }
0xd5: {  	[hbm4b:s21+s2] =	stream.linear.scatter [tilespmem:s12], [sflag:$0x2], $0xC000, $0x38;
	v63 =	vld [tilespmem:$0x0]  }
0xd6: {  	_ = 	snop  }
0xd7: {  	[hbm4b:s22+s2] =	stream.linear.scatter [tilespmem:s12], [sflag:$0x2], $0xC000, $0x38;
	v63 =	vld [tilespmem:$0x0]  }
0xd8: {  	_ = 	snop  }
0xd9: {  	[hbm4b:s23+s2] =	stream.linear.scatter [tilespmem:s12], [sflag:$0x2], $0xC000, $0x38;
	v63 =	vld [tilespmem:$0x0]  }
0xda: {  	_ =	swait.ge [sflag:s3], $0xC000  }
0xdb: {  	[sflag:s3] =	ssyncset.done $0x0  }
0xdc: {  	[sflag:s3] =	ssyncadd.s32 $0xFFFF4000  }
0xdd: {  	_ =	swait.ge [sflag:s3], $0xC000  }
0xde: {  	[sflag:s3] =	ssyncset.done $0x0  }
0xdf: {  	[sflag:s3] =	ssyncadd.s32 $0xFFFF4000  }
0xe0: {  	_ =	swait.ge [sflag:s3], $0xC000  }
0xe1: {  	[sflag:s3] =	ssyncset.done $0x0  }
0xe2: {  	[sflag:s3] =	ssyncadd.s32 $0xFFFF4000  }
0xe3: {  	_ =	swait.ge [sflag:s3], $0xC000  }
0xe4: {  	[sflag:s3] =	ssyncset.done $0x0  }
0xe5: {  	[sflag:s3] =	ssyncadd.s32 $0xFFFF4000  }
0xe6: {  	[tilespmem:s12], [sflag:$0x1] =	stream.linear.gather [hbm4b:s17+s2], $0xC000, $0x38;
	v63 =	vld [tilespmem:$0x0]  }
0xe7: {  	_ =	swait.ge [sflag:s11], $0xC000  }
0xe8: {  	[sflag:s11] =	ssyncset.done $0x0  }
0xe9: {  	[sflag:s11] =	ssyncadd.s32 $0xFFFF4000  }
0xea: {  	[hbm4b:s16+s2] =	stream.linear.scatter [tilespmem:s8], [sflag:$0x2], $0xC000, $0x38;
	v63 =	vld [tilespmem:$0x0]  }
0xeb: {  	_ = 	snop  }
0xec: {  	[hbm4b:s18+s2] =	stream.linear.scatter [tilespmem:s8], [sflag:$0x2], $0xC000, $0x38;
	v63 =	vld [tilespmem:$0x0]  }
0xed: {  	s0 =	sadd.s32 s15, s5  }
0xee: {  	[hbm4b:s0+s2] =	stream.linear.scatter [tilespmem:s8], [sflag:$0x2], $0xC000, $0x38;
	v63 =	vld [tilespmem:$0x0]  }
0xef: {  	s22 =	sadd.s32 s15, s4  }
0xf0: {  	[hbm4b:s22+s2] =	stream.linear.scatter [tilespmem:s8], [sflag:$0x2], $0xC000, $0x38;
	v63 =	vld [tilespmem:$0x0]  }
0xf1: {  	_ =	swait.ge [sflag:s3], $0xC000  }
0xf2: {  	[sflag:s3] =	ssyncset.done $0x0  }
0xf3: {  	[sflag:s3] =	ssyncadd.s32 $0xFFFF4000  }
0xf4: {  	_ =	swait.ge [sflag:s3], $0xC000  }
0xf5: {  	[sflag:s3] =	ssyncset.done $0x0  }
0xf6: {  	[sflag:s3] =	ssyncadd.s32 $0xFFFF4000  }
0xf7: {  	_ =	swait.ge [sflag:s3], $0xC000  }
0xf8: {  	[sflag:s3] =	ssyncset.done $0x0  }
0xf9: {  	[sflag:s3] =	ssyncadd.s32 $0xFFFF4000  }
0xfa: {  	_ =	swait.ge [sflag:s3], $0xC000  }
0xfb: {  	[sflag:s3] =	ssyncset.done $0x0  }
0xfc: {  	[sflag:s3] =	ssyncadd.s32 $0xFFFF4000  }
0xfd: {  	[tilespmem:s8], [sflag:$0x1] =	stream.linear.gather [hbm4b:s14+s2], $0x4000, $0x38;
	v63 =	vld [tilespmem:$0x0]  }
0xfe: {  	_ =	swait.ge [sflag:s11], $0xC000  }
0xff: {  	[sflag:s11] =	ssyncset.done $0x0  }
0x100: {  	[sflag:s11] =	ssyncadd.s32 $0xFFFF4000  }
0x101: {  	[hbm4b:s13+s2] =	stream.linear.scatter [tilespmem:s12], [sflag:$0x2], $0xC000, $0x38;
	v63 =	vld [tilespmem:$0x0]  }
0x102: {  	s23 =	sadd.s32 s9, s30  }
0x103: {  	[hbm4b:s23+s2] =	stream.linear.scatter [tilespmem:s12], [sflag:$0x2], $0xC000, $0x38;
	v63 =	vld [tilespmem:$0x0]  }
0x104: {  	s26 =	sadd.s32 s9, s5  }
0x105: {  	[hbm4b:s26+s2] =	stream.linear.scatter [tilespmem:s12], [sflag:$0x2], $0xC000, $0x38;
	v63 =	vld [tilespmem:$0x0]  }
0x106: {  	s28 =	sadd.s32 s9, s4  }
0x107: {  	[hbm4b:s28+s2] =	stream.linear.scatter [tilespmem:s12], [sflag:$0x2], $0xC000, $0x38;
	v63 =	vld [tilespmem:$0x0]  }
0x108: {  	_ =	swait.ge [sflag:s11], $0x4000  }
0x109: {  	[sflag:s11] =	ssyncset.done $0x0  }
0x10a: {  	[sflag:s11] =	ssyncadd.s32 $0xFFFFC000  }
0x10b: {  	[hbm4b:s10+s2] =	stream.linear.scatter [tilespmem:s8], [sflag:$0x2], $0x4000, $0x38;
	v63 =	vld [tilespmem:$0x0]  }
0x10c: {  	s29 =	sadd.s32 s7, s30  }
0x10d: {  	[hbm4b:s29+s2] =	stream.linear.scatter [tilespmem:s8], [sflag:$0x2], $0x4000, $0x38;
	v63 =	vld [tilespmem:$0x0]  }
0x10e: {  	s30 =	sadd.s32 s7, s5  }
0x10f: {  	[hbm4b:s30+s2] =	stream.linear.scatter [tilespmem:s8], [sflag:$0x2], $0x4000, $0x38;
	v63 =	vld [tilespmem:$0x0]  }
0x110: {  	s31 =	sadd.s32 s7, s4  }
0x111: {  	[hbm4b:s31+s2] =	stream.linear.scatter [tilespmem:s8], [sflag:$0x2], $0x4000, $0x38;
	v63 =	vld [tilespmem:$0x0]  }
0x112: {  	_ =	swait.ge [sflag:s3], $0xC000  }
0x113: {  	[sflag:s3] =	ssyncset.done $0x0  }
0x114: {  	[sflag:s3] =	ssyncadd.s32 $0xFFFF4000  }
0x115: {  	_ =	swait.ge [sflag:s3], $0xC000  }
0x116: {  	[sflag:s3] =	ssyncset.done $0x0  }
0x117: {  	[sflag:s3] =	ssyncadd.s32 $0xFFFF4000  }
0x118: {  	_ =	swait.ge [sflag:s3], $0xC000  }
0x119: {  	[sflag:s3] =	ssyncset.done $0x0  }
0x11a: {  	[sflag:s3] =	ssyncadd.s32 $0xFFFF4000  }
0x11b: {  	_ =	swait.ge [sflag:s3], $0xC000  }
0x11c: {  	[sflag:s3] =	ssyncset.done $0x0  }
0x11d: {  	[sflag:s3] =	ssyncadd.s32 $0xFFFF4000  }
0x11e: {  	_ =	swait.ge [sflag:s3], $0x4000  }
0x11f: {  	[sflag:s3] =	ssyncset.done $0x0  }
0x120: {  	[sflag:s3] =	ssyncadd.s32 $0xFFFFC000  }
0x121: {  	_ =	swait.ge [sflag:s3], $0x4000  }
0x122: {  	[sflag:s3] =	ssyncset.done $0x0  }
0x123: {  	[sflag:s3] =	ssyncadd.s32 $0xFFFFC000  }
0x124: {  	_ =	swait.ge [sflag:s3], $0x4000  }
0x125: {  	[sflag:s3] =	ssyncset.done $0x0  }
0x126: {  	[sflag:s3] =	ssyncadd.s32 $0xFFFFC000  }
0x127: {  	_ =	swait.ge [sflag:s3], $0x4000  }
0x128: {  	[sflag:s3] =	ssyncset.done $0x0  }
0x129: {  	[sflag:s3] =	ssyncadd.s32 $0xFFFFC000  }
0x12a: {  	_ =	sfence.sel $0x180000  }
0x12b: {  	[bflag:$0x0] =	sbarrier.arrive $0xFFFF  }
0x12c: {  	p0 =	sne.s32 s24, $0x0;
	_ =	strace $0x90000047  }
0x12d: {  	s0 =	sadd.s32 @!p0 $0x100000, s25;
	[bflag:$0x2] =	sbarrier.arrive $0xFFFF  }
0x12e: {  	[sflag:s0] =	ssyncadd.tile.s32 @!p0 $0x1;
	_ =	shalt  }
.LBB2_2:
.Ltmp3:
0x12f: {  	(pc) =	sbr.rel .LBB2_5-.Ltmp3, $3  }
0x130: {  	_ =	sdelay $0x1  }
0x131: {  	s25 =	rddreg [dreg:$0x2]  }
0x132: {  	s24 =	stileid.u32;
	s30 =	rddreg [dreg:$0x4]  }
.Lfunc_end2:
_tile_overlayer_lowered:
.L_overlay_start_2:
0x133: {  	(tag) =	ssettag $0x2  }
0x134: {  	s0 =	rddreg [dreg:$0x0];
	s2 =	stileid.u32  }
0x135: {  	s1 =	rddreg [dreg:$0x1];
	p0 =	sne.s32 s2, $0x0  }
0x136: {  	s3 =	rddreg [dreg:$0x2];
	[bflag:$0x3] =	sbarrier.arrive $0xFFFF;
	s2 =	simm.s32 @!p0 $0x1C03  }
0x137: {  	[timem:s3], [sflag:s2] =	dma.local @!p0 [hbm:s0], s1  }
0x138: {  	s0 =	simm.s32 @!p0 $0x3  }
0x139: {  	_ =	swait.ge @!p0 [sflag:s0], s1  }
0x13a: {  	s1 =	ssub.s32 @!p0 $0x0, s1;
	[sflag:s0] =	ssyncset.done @!p0 $0x0  }
0x13b: {  	[sflag:s0] =	ssyncadd.s32 @!p0 s1  }
0x13c: {  	[bflag:$0x3] =	sbarrier.arrive $0xFFFF  }
0x13d: {  	_ =	shalt  }

</sc_bundles>
